<compile_context>
chip_gen: v7x
topology: tpu7x:2x2x1
jax: 0.10.2.dev20260603
libtpu: 0.0.44.dev20260713+nightly
codegen_flags: <defaults>
</compile_context>

<pallas_src>
import functools

import jax
import jax.numpy as jnp
from jax import lax
from jax.experimental import pallas as pl
from jax.experimental.pallas import tpu as pltpu
from jax.experimental.pallas import tpu_sc as plsc

_THRESHOLD = 0.5
_NMS_THRESHOLD = 0.5
_MAX_DET = 100
_N = 20000
_NSUB = 16
_PR = 1250
_P = 1280
_CH = _P // 16
_OUTP = 112
_NEG = float("-inf")



def _prep_kernel(an_ref, rg_ref, cls_ref,
                 cur_ref, bx1_ref, by1_ref, bx2_ref, by2_ref, ar_ref, ci_ref):
    a0 = an_ref[0]
    a1 = an_ref[1]
    a2 = an_ref[2]
    a3 = an_ref[3]
    r0 = rg_ref[0]
    r1 = rg_ref[1]
    r2 = rg_ref[2]
    r3 = rg_ref[3]

    y_centers_a = (a0 + a2) / 2.0
    x_centers_a = (a1 + a3) / 2.0
    ha = a2 - a0
    wa = a3 - a1
    w = jnp.exp(r3) * wa
    h = jnp.exp(r2) * ha
    y_centers = r0 * ha + y_centers_a
    x_centers = r1 * wa + x_centers_a
    bx1 = jnp.maximum(x_centers - w / 2.0, 0.0)
    by1 = jnp.maximum(y_centers - h / 2.0, 0.0)
    bx2 = jnp.minimum(x_centers + w / 2.0, 511.0)
    by2 = jnp.minimum(y_centers + h / 2.0, 511.0)

    bx1_ref[:, :_PR] = bx1
    by1_ref[:, :_PR] = by1
    bx2_ref[:, :_PR] = bx2
    by2_ref[:, :_PR] = by2
    ar_ref[:, :_PR] = (jnp.maximum(bx2 - bx1, 0.0)
                       * jnp.maximum(by2 - by1, 0.0))

    cls = cls_ref[...]
    max_scores = jnp.max(cls, axis=2)
    cit = lax.broadcasted_iota(jnp.int32, cls.shape, 2)
    ci_ref[:, :_PR] = jnp.min(
        jnp.where(cls == max_scores[:, :, None], cit, 90), axis=2)
    cur_ref[:, :_PR] = jnp.where(max_scores > _THRESHOLD, max_scores, _NEG)

    zpad = jnp.zeros((_NSUB, _P - _PR), jnp.float32)
    bx1_ref[:, _PR:] = zpad
    by1_ref[:, _PR:] = zpad
    bx2_ref[:, _PR:] = zpad
    by2_ref[:, _PR:] = zpad
    ar_ref[:, _PR:] = zpad
    ci_ref[:, _PR:] = jnp.zeros((_NSUB, _P - _PR), jnp.int32)
    cur_ref[:, _PR:] = jnp.full((_NSUB, _P - _PR), _NEG, jnp.float32)


def _prep(anchors_t, regression_t, cls3):
    shp = jax.ShapeDtypeStruct((_NSUB, _P), jnp.float32)
    shpi = jax.ShapeDtypeStruct((_NSUB, _P), jnp.int32)
    return pl.pallas_call(
        _prep_kernel,
        out_shape=(shp, shp, shp, shp, shp, shp, shpi),
        in_specs=[pl.BlockSpec(memory_space=pltpu.VMEM)] * 3,
    )(anchors_t, regression_t, cls3)



def _sc_nms_body(cur_hbm, bx1_hbm, by1_hbm, bx2_hbm, by2_hbm, ar_hbm, ci_hbm,
                 xs_hbm, ys_hbm, x2s_hbm, y2s_hbm, ss_hbm, cs_hbm, nd_hbm,
                 cur_v, x1_v, y1_v, x2_v, y2_v, ar_v, cl_v,
                 stage_v, all_v, xs_v, ys_v, x2s_v, y2s_v, ss_v, cs_v, nd_v,
                 cand_tbl):
    s = lax.axis_index("s")
    lane = lax.iota(jnp.int32, 16)
    neg = jnp.float32(_NEG)

    pltpu.sync_copy(cur_hbm.at[s], cur_v)
    pltpu.sync_copy(bx1_hbm.at[s], x1_v)
    pltpu.sync_copy(by1_hbm.at[s], y1_v)
    pltpu.sync_copy(bx2_hbm.at[s], x2_v)
    pltpu.sync_copy(by2_hbm.at[s], y2_v)
    pltpu.sync_copy(ar_hbm.at[s], ar_v)
    pltpu.sync_copy(ci_hbm.at[s], cl_v)

    def lane_bcast(vec, j):
        return jnp.full((16,), jnp.max(jnp.where(lane == j, vec, neg)),
                        jnp.float32)

    def pick_body(t, cnt):
        def am_body(i, carry):
            vm, bc = carry
            v = cur_v[pl.ds(i * 16, 16)]
            better = v > vm
            ib = jnp.full((16,), i, jnp.int32)
            return jnp.where(better, v, vm), jnp.where(better, ib, bc)

        vm, bc = lax.fori_loop(
            0, _CH, am_body,
            (jnp.full((16,), neg, jnp.float32), jnp.zeros((16,), jnp.int32)))
        m = jnp.max(vm)
        li = jnp.min(jnp.where(vm == m, bc * 16 + lane, _P))
        gidx = s * _PR + li

        loff = (li // 16) * 16
        llane = li - loff
        gx1 = lane_bcast(x1_v[pl.ds(loff, 16)], llane)
        gy1 = lane_bcast(y1_v[pl.ds(loff, 16)], llane)
        gx2 = lane_bcast(x2_v[pl.ds(loff, 16)], llane)
        gy2 = lane_bcast(y2_v[pl.ds(loff, 16)], llane)
        gar = lane_bcast(ar_v[pl.ds(loff, 16)], llane)
        gcl = lane_bcast(cl_v[pl.ds(loff, 16)].astype(jnp.float32), llane)
        mb = jnp.full((16,), m, jnp.float32)
        gf = jnp.full((16,), gidx, jnp.int32).astype(jnp.float32)
        cand = jnp.where(lane == 0, mb,
               jnp.where(lane == 1, gf,
               jnp.where(lane == 2, gx1,
               jnp.where(lane == 3, gy1,
               jnp.where(lane == 4, gx2,
               jnp.where(lane == 5, gy2,
               jnp.where(lane == 6, gar, gcl)))))))
        stage_v[...] = cand
        pltpu.sync_copy(stage_v, cand_tbl.at[pl.ds(s * 16, 16)])
        plsc.subcore_barrier()
        pltpu.sync_copy(cand_tbl, all_v)
        plsc.subcore_barrier()

        def win_body(j, carry):
            bs, bg, brow = carry
            row = all_v[pl.ds(j * 16, 16)]
            sj = jnp.max(jnp.where(lane == 0, row, neg))
            gj = jnp.max(jnp.where(lane == 1, row, neg))
            better = (sj > bs) | ((sj == bs) & (gj < bg))
            return (jnp.where(better, sj, bs), jnp.where(better, gj, bg),
                    jnp.where(better, row, brow))

        wm, gw, brow = lax.fori_loop(
            0, _NSUB, win_body,
            (neg, jnp.float32(3e9), jnp.zeros((16,), jnp.float32)))
        wx1 = lane_bcast(brow, 2)
        wy1 = lane_bcast(brow, 3)
        wx2 = lane_bcast(brow, 4)
        wy2 = lane_bcast(brow, 5)
        war = lane_bcast(brow, 6)
        wcl = lane_bcast(brow, 7)
        validv = jnp.full((16,), wm, jnp.float32) > neg

        base = s * _PR

        def sup_body(i, carry):
            x1c = x1_v[pl.ds(i * 16, 16)]
            y1c = y1_v[pl.ds(i * 16, 16)]
            x2c = x2_v[pl.ds(i * 16, 16)]
            y2c = y2_v[pl.ds(i * 16, 16)]
            arc = ar_v[pl.ds(i * 16, 16)]
            cc = cur_v[pl.ds(i * 16, 16)]
            xx1 = jnp.maximum(x1c, wx1)
            yy1 = jnp.maximum(y1c, wy1)
            xx2 = jnp.minimum(x2c, wx2)
            yy2 = jnp.minimum(y2c, wy2)
            inter = jnp.maximum(xx2 - xx1, 0.0) * jnp.maximum(yy2 - yy1, 0.0)
            iou = inter / (arc + war - inter + 1e-8)
            gidc = (jnp.full((16,), base + i * 16, jnp.int32) + lane
                    ).astype(jnp.float32)
            supp = (iou > _NMS_THRESHOLD) | (gidc == gw)
            cur_v[pl.ds(i * 16, 16)] = jnp.where(validv & supp, neg, cc)
            return carry

        lax.fori_loop(0, _CH, sup_body, 0)

        @pl.when(s == 0)
        def _():
            off = (t // 16) * 16
            lsel = lane == (t - off)

            def put(ref, valvec):
                old = ref[pl.ds(off, 16)]
                ref[pl.ds(off, 16)] = jnp.where(
                    lsel, jnp.where(validv, valvec, 0.0), old)

            put(xs_v, wx1)
            put(ys_v, wy1)
            put(x2s_v, wx2)
            put(y2s_v, wy2)
            put(ss_v, jnp.full((16,), wm, jnp.float32))
            oldc = cs_v[pl.ds(off, 16)]
            cs_v[pl.ds(off, 16)] = jnp.where(
                lsel, jnp.where(validv, wcl.astype(jnp.int32), 0), oldc)

        return cnt + jnp.where(wm > neg, 1, 0).astype(jnp.int32)

    cnt = lax.fori_loop(0, _MAX_DET, pick_body, jnp.int32(0))

    @pl.when(s == 0)
    def _():
        nd_v[...] = jnp.where(lane == 0, jnp.full((16,), cnt, jnp.int32), 0)
        pltpu.sync_copy(xs_v, xs_hbm)
        pltpu.sync_copy(ys_v, ys_hbm)
        pltpu.sync_copy(x2s_v, x2s_hbm)
        pltpu.sync_copy(y2s_v, y2s_hbm)
        pltpu.sync_copy(ss_v, ss_hbm)
        pltpu.sync_copy(cs_v, cs_hbm)
        pltpu.sync_copy(nd_v, nd_hbm)


def _sc_nms(cur, bx1, by1, bx2, by2, ar, ci):
    f32 = jnp.float32
    outs = (
        jax.ShapeDtypeStruct((_OUTP,), f32),
        jax.ShapeDtypeStruct((_OUTP,), f32),
        jax.ShapeDtypeStruct((_OUTP,), f32),
        jax.ShapeDtypeStruct((_OUTP,), f32),
        jax.ShapeDtypeStruct((_OUTP,), f32),
        jax.ShapeDtypeStruct((_OUTP,), jnp.int32),
        jax.ShapeDtypeStruct((16,), jnp.int32),
    )
    scratch = [
        pltpu.VMEM((_P,), f32),
        pltpu.VMEM((_P,), f32),
        pltpu.VMEM((_P,), f32),
        pltpu.VMEM((_P,), f32),
        pltpu.VMEM((_P,), f32),
        pltpu.VMEM((_P,), f32),
        pltpu.VMEM((_P,), jnp.int32),
        pltpu.VMEM((16,), f32),
        pltpu.VMEM((16 * _NSUB,), f32),
        pltpu.VMEM((_OUTP,), f32),
        pltpu.VMEM((_OUTP,), f32),
        pltpu.VMEM((_OUTP,), f32),
        pltpu.VMEM((_OUTP,), f32),
        pltpu.VMEM((_OUTP,), f32),
        pltpu.VMEM((_OUTP,), jnp.int32),
        pltpu.VMEM((16,), jnp.int32),
        pltpu.VMEM_SHARED((16 * _NSUB,), f32),
    ]
    mesh = plsc.VectorSubcoreMesh(core_axis_name="c", subcore_axis_name="s",
                                  num_cores=1, num_subcores=_NSUB)
    call = pl.kernel(_sc_nms_body, out_type=outs, mesh=mesh,
                     scratch_types=scratch,
                     compiler_params=pltpu.CompilerParams(
                         needs_layout_passes=False))
    return call(cur, bx1, by1, bx2, by2, ar, ci)


@jax.jit
def _run(x, regression, classification, anchors):
    del x
    anchors_t = anchors[0].T.reshape(4, _NSUB, _PR)
    regression_t = regression[0].T.reshape(4, _NSUB, _PR)
    cls3 = classification.reshape(_NSUB, _PR, 90)
    cur, bx1, by1, bx2, by2, ar, ci = _prep(anchors_t, regression_t, cls3)
    xs, ys, x2s, y2s, ss, cs, nd = _sc_nms(cur, bx1, by1, bx2, by2, ar, ci)
    boxes = jnp.stack([xs[:_MAX_DET], ys[:_MAX_DET],
                       x2s[:_MAX_DET], y2s[:_MAX_DET]], axis=-1)
    return boxes, ss[:_MAX_DET], cs[:_MAX_DET], nd[0]


def kernel(x, regression, classification, anchors):
    return _run(x, regression, classification, anchors)

# --- scband reference (transcript-rebuilt; emitter-appended) ---
"""Pipeline reference for scband-efficient-det-with-fixed-outputs-43336220016742 (READ-ONLY COPY).

The authoritative reference and input builder live on the scoring server;
editing this copy changes nothing except your own understanding.
"""

import jax, jax.numpy as jnp
import numpy as np

THRESHOLD = 0.5
NMS_THRESHOLD = 0.5
MAX_DETECTIONS = 100
N_ANCHORS = 20000
N_CLASSES = 90


def setup_inputs(seed: int = 0) -> dict:
    key = jax.random.key(seed)
    k1, k2, k3, k4 = jax.random.split(key, 4)
    x = jax.random.normal(k1, (1, 3, 512, 512), dtype=jnp.float32)
    # regression deltas (dy, dx, dh, dw) kept in a realistic small range
    regression = jax.random.normal(k2, (1, N_ANCHORS, 4), dtype=jnp.float32) * 0.2
    # classification modeled as post-sigmoid per-class scores in [0, 1)
    classification = jax.random.uniform(k3, (1, N_ANCHORS, N_CLASSES), dtype=jnp.float32)
    # anchors in (y1, x1, y2, x2) format, built from uniform raw values so boxes are valid
    raw = jax.random.uniform(k4, (1, N_ANCHORS, 4), dtype=jnp.float32)
    cy = raw[..., 0] * 512.0
    cx = raw[..., 1] * 512.0
    h = raw[..., 2] * 96.0 + 16.0
    w = raw[..., 3] * 96.0 + 16.0
    anchors = jnp.stack([cy - h / 2.0, cx - w / 2.0, cy + h / 2.0, cx + w / 2.0], axis=-1)
    return {"x": x, "regression": regression, "classification": classification, "anchors": anchors}


def _bbox_transform(anchors, regression):
    # EfficientDet BBoxTransform: anchors (y1, x1, y2, x2) -> boxes (x1, y1, x2, y2)
    y_centers_a = (anchors[..., 0] + anchors[..., 2]) / 2.0
    x_centers_a = (anchors[..., 1] + anchors[..., 3]) / 2.0
    ha = anchors[..., 2] - anchors[..., 0]
    wa = anchors[..., 3] - anchors[..., 1]
    w = jnp.exp(regression[..., 3]) * wa
    h = jnp.exp(regression[..., 2]) * ha
    y_centers = regression[..., 0] * ha + y_centers_a
    x_centers = regression[..., 1] * wa + x_centers_a
    ymin = y_centers - h / 2.0
    xmin = x_centers - w / 2.0
    ymax = y_centers + h / 2.0
    xmax = x_centers + w / 2.0
    return jnp.stack([xmin, ymin, xmax, ymax], axis=2)


def _clip_boxes(boxes, x):
    height, width = x.shape[2], x.shape[3]
    xmin = jnp.maximum(boxes[..., 0], 0.0)
    ymin = jnp.maximum(boxes[..., 1], 0.0)
    xmax = jnp.minimum(boxes[..., 2], float(width) - 1.0)
    ymax = jnp.minimum(boxes[..., 3], float(height) - 1.0)
    return jnp.stack([xmin, ymin, xmax, ymax], axis=-1)


def _forward(x, regression, classification, anchors):
    boxes = _bbox_transform(anchors, regression)
    boxes = _clip_boxes(boxes, x)
    img_boxes = boxes[0]
    img_scores = classification[0]
    max_scores = jnp.max(img_scores, axis=1)
    class_indices = jnp.argmax(img_scores, axis=1)
    valid = max_scores > THRESHOLD
    cur = jnp.where(valid, max_scores, -jnp.inf)
    n = img_boxes.shape[0]
    bx1 = img_boxes[:, 0]
    by1 = img_boxes[:, 1]
    bx2 = img_boxes[:, 2]
    by2 = img_boxes[:, 3]
    areas = jnp.maximum(bx2 - bx1, 0.0) * jnp.maximum(by2 - by1, 0.0)
    idxs = jnp.arange(n)
    keep_idx = []
    keep_valid = []
    # greedy hard NMS, truncated to MAX_DETECTIONS kept boxes (matches nms_torch + [:max_det])
    for _ in range(MAX_DETECTIONS):
        i = jnp.argmax(cur)
        si = cur[i]
        v = jnp.isfinite(si)
        keep_idx.append(i)
        keep_valid.append(v)
        xx1 = jnp.maximum(bx1, bx1[i])
        yy1 = jnp.maximum(by1, by1[i])
        xx2 = jnp.minimum(bx2, bx2[i])
        yy2 = jnp.minimum(by2, by2[i])
        inter = jnp.maximum(xx2 - xx1, 0.0) * jnp.maximum(yy2 - yy1, 0.0)
        iou = inter / (areas + areas[i] - inter + 1e-8)
        suppress = (iou > NMS_THRESHOLD) | (idxs == i)
        cur = jnp.where(v & suppress, -jnp.inf, cur)
    keep_idx = jnp.stack(keep_idx)
    keep_valid = jnp.stack(keep_valid)
    out_boxes = jnp.where(keep_valid[:, None], img_boxes[keep_idx], 0.0)
    out_scores = jnp.where(keep_valid, max_scores[keep_idx], 0.0)
    out_classes = jnp.where(keep_valid, class_indices[keep_idx], 0).astype(jnp.int32)
    num_detections = jnp.sum(keep_valid).astype(jnp.int32)
    return out_boxes, out_scores, out_classes, num_detections


def reference(x, regression, classification, anchors):
    return _forward(x, regression, classification, anchors)

if __name__ == "__main__":
    import jax
    _d = setup_inputs()
    print(jax.jit(kernel)(*tuple(_d.values())))

</pallas_src>

<mosaic_0001>
#map = affine_map<(d0, d1) -> (0, 0)>
#map1 = affine_map<(d0, d1) -> (0)>
module attributes {stable_mosaic.version = 14 : i64} {
  func.func @_sc_nms_body(%arg0: i32, %arg1: i32, %arg2: memref<16x1280xf32, #tpu.memory_space<hbm>>, %arg3: memref<16x1280xf32, #tpu.memory_space<hbm>>, %arg4: memref<16x1280xf32, #tpu.memory_space<hbm>>, %arg5: memref<16x1280xf32, #tpu.memory_space<hbm>>, %arg6: memref<16x1280xf32, #tpu.memory_space<hbm>>, %arg7: memref<16x1280xf32, #tpu.memory_space<hbm>>, %arg8: memref<16x1280xi32, #tpu.memory_space<hbm>>, %arg9: memref<112xf32, #tpu.memory_space<hbm>>, %arg10: memref<112xf32, #tpu.memory_space<hbm>>, %arg11: memref<112xf32, #tpu.memory_space<hbm>>, %arg12: memref<112xf32, #tpu.memory_space<hbm>>, %arg13: memref<112xf32, #tpu.memory_space<hbm>>, %arg14: memref<112xi32, #tpu.memory_space<hbm>>, %arg15: memref<16xi32, #tpu.memory_space<hbm>>, %arg16: memref<1280xf32, #tpu.memory_space<vmem>>, %arg17: memref<1280xf32, #tpu.memory_space<vmem>>, %arg18: memref<1280xf32, #tpu.memory_space<vmem>>, %arg19: memref<1280xf32, #tpu.memory_space<vmem>>, %arg20: memref<1280xf32, #tpu.memory_space<vmem>>, %arg21: memref<1280xf32, #tpu.memory_space<vmem>>, %arg22: memref<1280xi32, #tpu.memory_space<vmem>>, %arg23: memref<16xf32, #tpu.memory_space<vmem>>, %arg24: memref<256xf32, #tpu.memory_space<vmem>>, %arg25: memref<112xf32, #tpu.memory_space<vmem>>, %arg26: memref<112xf32, #tpu.memory_space<vmem>>, %arg27: memref<112xf32, #tpu.memory_space<vmem>>, %arg28: memref<112xf32, #tpu.memory_space<vmem>>, %arg29: memref<112xf32, #tpu.memory_space<vmem>>, %arg30: memref<112xi32, #tpu.memory_space<vmem>>, %arg31: memref<16xi32, #tpu.memory_space<vmem>>, %arg32: memref<256xf32, #tpu.memory_space<vmem_shared>>) attributes {dimension_semantics = [#tpu.dimension_semantics<core_parallel>, #tpu.dimension_semantics<subcore_parallel>], iteration_bounds = array<i64: 1, 16>, scalar_prefetch = 0 : i64, scratch_operands = 17 : i64, tpu.core_type = #tpu.core_type<sc_vector_subcore>, window_params = [{transform_indices = #map}, {transform_indices = #map}, {transform_indices = #map}, {transform_indices = #map}, {transform_indices = #map}, {transform_indices = #map}, {transform_indices = #map}, {transform_indices = #map1}, {transform_indices = #map1}, {transform_indices = #map1}, {transform_indices = #map1}, {transform_indices = #map1}, {transform_indices = #map1}, {transform_indices = #map1}]} {
    %iota3A = tpu.iota {dimensions = array<i32: 0>} : vector<16xi32>
    "tpu.region"() ({
      %run_scoped3A = tpu.sem_alloc : memref<!tpu.dma_semaphore, #tpu.memory_space<semaphore_mem>>
      %dma_start3A = arith.constant 0 : i32
      %dma_start3A_9 = tpu.memref_slice %arg2[%arg1, %dma_start3A] : memref<16x1280xf32, #tpu.memory_space<hbm>> -> memref<1x1280xf32, #tpu.memory_space<hbm>>
      %dma_start3A_10 = tpu.memref_squeeze %dma_start3A_9 : memref<1x1280xf32, #tpu.memory_space<hbm>> -> memref<1280xf32, #tpu.memory_space<hbm>>
      %dma_start3A_11 = arith.constant 0 : i32
      %dma_start3A_12 = tpu.memref_slice %arg2[%arg1, %dma_start3A_11] : memref<16x1280xf32, #tpu.memory_space<hbm>> -> memref<1x1280xf32, #tpu.memory_space<hbm>>
      %dma_start3A_13 = tpu.memref_squeeze %dma_start3A_12 : memref<1x1280xf32, #tpu.memory_space<hbm>> -> memref<1280xf32, #tpu.memory_space<hbm>>
      tpu.enqueue_dma source(%dma_start3A_13 : memref<1280xf32, #tpu.memory_space<hbm>>) target(%arg16 : memref<1280xf32, #tpu.memory_space<vmem>>) target_semaphore(%run_scoped3A : memref<!tpu.dma_semaphore, #tpu.memory_space<semaphore_mem>>)
      %dma_wait3A = arith.constant 0 : i32
      %dma_wait3A_14 = tpu.memref_slice %arg2[%arg1, %dma_wait3A] : memref<16x1280xf32, #tpu.memory_space<hbm>> -> memref<1x1280xf32, #tpu.memory_space<hbm>>
      %dma_wait3A_15 = tpu.memref_squeeze %dma_wait3A_14 : memref<1x1280xf32, #tpu.memory_space<hbm>> -> memref<1280xf32, #tpu.memory_space<hbm>>
      %dma_wait3A_16 = arith.constant 0 : i32
      %dma_wait3A_17 = tpu.memref_slice %arg2[%arg1, %dma_wait3A_16] : memref<16x1280xf32, #tpu.memory_space<hbm>> -> memref<1x1280xf32, #tpu.memory_space<hbm>>
      %dma_wait3A_18 = tpu.memref_squeeze %dma_wait3A_17 : memref<1x1280xf32, #tpu.memory_space<hbm>> -> memref<1280xf32, #tpu.memory_space<hbm>>
      tpu.wait_dma2 semaphore(%run_scoped3A : memref<!tpu.dma_semaphore, #tpu.memory_space<semaphore_mem>>) src(%dma_wait3A_18 : memref<1280xf32, #tpu.memory_space<hbm>>) dst(%arg16 : memref<1280xf32, #tpu.memory_space<vmem>>)
      tpu.yield
    }) : () -> ()
    "tpu.region"() ({
      %run_scoped3A = tpu.sem_alloc : memref<!tpu.dma_semaphore, #tpu.memory_space<semaphore_mem>>
      %dma_start3A = arith.constant 0 : i32
      %dma_start3A_9 = tpu.memref_slice %arg3[%arg1, %dma_start3A] : memref<16x1280xf32, #tpu.memory_space<hbm>> -> memref<1x1280xf32, #tpu.memory_space<hbm>>
      %dma_start3A_10 = tpu.memref_squeeze %dma_start3A_9 : memref<1x1280xf32, #tpu.memory_space<hbm>> -> memref<1280xf32, #tpu.memory_space<hbm>>
      %dma_start3A_11 = arith.constant 0 : i32
      %dma_start3A_12 = tpu.memref_slice %arg3[%arg1, %dma_start3A_11] : memref<16x1280xf32, #tpu.memory_space<hbm>> -> memref<1x1280xf32, #tpu.memory_space<hbm>>
      %dma_start3A_13 = tpu.memref_squeeze %dma_start3A_12 : memref<1x1280xf32, #tpu.memory_space<hbm>> -> memref<1280xf32, #tpu.memory_space<hbm>>
      tpu.enqueue_dma source(%dma_start3A_13 : memref<1280xf32, #tpu.memory_space<hbm>>) target(%arg17 : memref<1280xf32, #tpu.memory_space<vmem>>) target_semaphore(%run_scoped3A : memref<!tpu.dma_semaphore, #tpu.memory_space<semaphore_mem>>)
      %dma_wait3A = arith.constant 0 : i32
      %dma_wait3A_14 = tpu.memref_slice %arg3[%arg1, %dma_wait3A] : memref<16x1280xf32, #tpu.memory_space<hbm>> -> memref<1x1280xf32, #tpu.memory_space<hbm>>
      %dma_wait3A_15 = tpu.memref_squeeze %dma_wait3A_14 : memref<1x1280xf32, #tpu.memory_space<hbm>> -> memref<1280xf32, #tpu.memory_space<hbm>>
      %dma_wait3A_16 = arith.constant 0 : i32
      %dma_wait3A_17 = tpu.memref_slice %arg3[%arg1, %dma_wait3A_16] : memref<16x1280xf32, #tpu.memory_space<hbm>> -> memref<1x1280xf32, #tpu.memory_space<hbm>>
      %dma_wait3A_18 = tpu.memref_squeeze %dma_wait3A_17 : memref<1x1280xf32, #tpu.memory_space<hbm>> -> memref<1280xf32, #tpu.memory_space<hbm>>
      tpu.wait_dma2 semaphore(%run_scoped3A : memref<!tpu.dma_semaphore, #tpu.memory_space<semaphore_mem>>) src(%dma_wait3A_18 : memref<1280xf32, #tpu.memory_space<hbm>>) dst(%arg17 : memref<1280xf32, #tpu.memory_space<vmem>>)
      tpu.yield
    }) : () -> ()
    "tpu.region"() ({
      %run_scoped3A = tpu.sem_alloc : memref<!tpu.dma_semaphore, #tpu.memory_space<semaphore_mem>>
      %dma_start3A = arith.constant 0 : i32
      %dma_start3A_9 = tpu.memref_slice %arg4[%arg1, %dma_start3A] : memref<16x1280xf32, #tpu.memory_space<hbm>> -> memref<1x1280xf32, #tpu.memory_space<hbm>>
      %dma_start3A_10 = tpu.memref_squeeze %dma_start3A_9 : memref<1x1280xf32, #tpu.memory_space<hbm>> -> memref<1280xf32, #tpu.memory_space<hbm>>
      %dma_start3A_11 = arith.constant 0 : i32
      %dma_start3A_12 = tpu.memref_slice %arg4[%arg1, %dma_start3A_11] : memref<16x1280xf32, #tpu.memory_space<hbm>> -> memref<1x1280xf32, #tpu.memory_space<hbm>>
      %dma_start3A_13 = tpu.memref_squeeze %dma_start3A_12 : memref<1x1280xf32, #tpu.memory_space<hbm>> -> memref<1280xf32, #tpu.memory_space<hbm>>
      tpu.enqueue_dma source(%dma_start3A_13 : memref<1280xf32, #tpu.memory_space<hbm>>) target(%arg18 : memref<1280xf32, #tpu.memory_space<vmem>>) target_semaphore(%run_scoped3A : memref<!tpu.dma_semaphore, #tpu.memory_space<semaphore_mem>>)
      %dma_wait3A = arith.constant 0 : i32
      %dma_wait3A_14 = tpu.memref_slice %arg4[%arg1, %dma_wait3A] : memref<16x1280xf32, #tpu.memory_space<hbm>> -> memref<1x1280xf32, #tpu.memory_space<hbm>>
      %dma_wait3A_15 = tpu.memref_squeeze %dma_wait3A_14 : memref<1x1280xf32, #tpu.memory_space<hbm>> -> memref<1280xf32, #tpu.memory_space<hbm>>
      %dma_wait3A_16 = arith.constant 0 : i32
      %dma_wait3A_17 = tpu.memref_slice %arg4[%arg1, %dma_wait3A_16] : memref<16x1280xf32, #tpu.memory_space<hbm>> -> memref<1x1280xf32, #tpu.memory_space<hbm>>
      %dma_wait3A_18 = tpu.memref_squeeze %dma_wait3A_17 : memref<1x1280xf32, #tpu.memory_space<hbm>> -> memref<1280xf32, #tpu.memory_space<hbm>>
      tpu.wait_dma2 semaphore(%run_scoped3A : memref<!tpu.dma_semaphore, #tpu.memory_space<semaphore_mem>>) src(%dma_wait3A_18 : memref<1280xf32, #tpu.memory_space<hbm>>) dst(%arg18 : memref<1280xf32, #tpu.memory_space<vmem>>)
      tpu.yield
    }) : () -> ()
    "tpu.region"() ({
      %run_scoped3A = tpu.sem_alloc : memref<!tpu.dma_semaphore, #tpu.memory_space<semaphore_mem>>
      %dma_start3A = arith.constant 0 : i32
      %dma_start3A_9 = tpu.memref_slice %arg5[%arg1, %dma_start3A] : memref<16x1280xf32, #tpu.memory_space<hbm>> -> memref<1x1280xf32, #tpu.memory_space<hbm>>
      %dma_start3A_10 = tpu.memref_squeeze %dma_start3A_9 : memref<1x1280xf32, #tpu.memory_space<hbm>> -> memref<1280xf32, #tpu.memory_space<hbm>>
      %dma_start3A_11 = arith.constant 0 : i32
      %dma_start3A_12 = tpu.memref_slice %arg5[%arg1, %dma_start3A_11] : memref<16x1280xf32, #tpu.memory_space<hbm>> -> memref<1x1280xf32, #tpu.memory_space<hbm>>
      %dma_start3A_13 = tpu.memref_squeeze %dma_start3A_12 : memref<1x1280xf32, #tpu.memory_space<hbm>> -> memref<1280xf32, #tpu.memory_space<hbm>>
      tpu.enqueue_dma source(%dma_start3A_13 : memref<1280xf32, #tpu.memory_space<hbm>>) target(%arg19 : memref<1280xf32, #tpu.memory_space<vmem>>) target_semaphore(%run_scoped3A : memref<!tpu.dma_semaphore, #tpu.memory_space<semaphore_mem>>)
      %dma_wait3A = arith.constant 0 : i32
      %dma_wait3A_14 = tpu.memref_slice %arg5[%arg1, %dma_wait3A] : memref<16x1280xf32, #tpu.memory_space<hbm>> -> memref<1x1280xf32, #tpu.memory_space<hbm>>
      %dma_wait3A_15 = tpu.memref_squeeze %dma_wait3A_14 : memref<1x1280xf32, #tpu.memory_space<hbm>> -> memref<1280xf32, #tpu.memory_space<hbm>>
      %dma_wait3A_16 = arith.constant 0 : i32
      %dma_wait3A_17 = tpu.memref_slice %arg5[%arg1, %dma_wait3A_16] : memref<16x1280xf32, #tpu.memory_space<hbm>> -> memref<1x1280xf32, #tpu.memory_space<hbm>>
      %dma_wait3A_18 = tpu.memref_squeeze %dma_wait3A_17 : memref<1x1280xf32, #tpu.memory_space<hbm>> -> memref<1280xf32, #tpu.memory_space<hbm>>
      tpu.wait_dma2 semaphore(%run_scoped3A : memref<!tpu.dma_semaphore, #tpu.memory_space<semaphore_mem>>) src(%dma_wait3A_18 : memref<1280xf32, #tpu.memory_space<hbm>>) dst(%arg19 : memref<1280xf32, #tpu.memory_space<vmem>>)
      tpu.yield
    }) : () -> ()
    "tpu.region"() ({
      %run_scoped3A = tpu.sem_alloc : memref<!tpu.dma_semaphore, #tpu.memory_space<semaphore_mem>>
      %dma_start3A = arith.constant 0 : i32
      %dma_start3A_9 = tpu.memref_slice %arg6[%arg1, %dma_start3A] : memref<16x1280xf32, #tpu.memory_space<hbm>> -> memref<1x1280xf32, #tpu.memory_space<hbm>>
      %dma_start3A_10 = tpu.memref_squeeze %dma_start3A_9 : memref<1x1280xf32, #tpu.memory_space<hbm>> -> memref<1280xf32, #tpu.memory_space<hbm>>
      %dma_start3A_11 = arith.constant 0 : i32
      %dma_start3A_12 = tpu.memref_slice %arg6[%arg1, %dma_start3A_11] : memref<16x1280xf32, #tpu.memory_space<hbm>> -> memref<1x1280xf32, #tpu.memory_space<hbm>>
      %dma_start3A_13 = tpu.memref_squeeze %dma_start3A_12 : memref<1x1280xf32, #tpu.memory_space<hbm>> -> memref<1280xf32, #tpu.memory_space<hbm>>
      tpu.enqueue_dma source(%dma_start3A_13 : memref<1280xf32, #tpu.memory_space<hbm>>) target(%arg20 : memref<1280xf32, #tpu.memory_space<vmem>>) target_semaphore(%run_scoped3A : memref<!tpu.dma_semaphore, #tpu.memory_space<semaphore_mem>>)
      %dma_wait3A = arith.constant 0 : i32
      %dma_wait3A_14 = tpu.memref_slice %arg6[%arg1, %dma_wait3A] : memref<16x1280xf32, #tpu.memory_space<hbm>> -> memref<1x1280xf32, #tpu.memory_space<hbm>>
      %dma_wait3A_15 = tpu.memref_squeeze %dma_wait3A_14 : memref<1x1280xf32, #tpu.memory_space<hbm>> -> memref<1280xf32, #tpu.memory_space<hbm>>
      %dma_wait3A_16 = arith.constant 0 : i32
      %dma_wait3A_17 = tpu.memref_slice %arg6[%arg1, %dma_wait3A_16] : memref<16x1280xf32, #tpu.memory_space<hbm>> -> memref<1x1280xf32, #tpu.memory_space<hbm>>
      %dma_wait3A_18 = tpu.memref_squeeze %dma_wait3A_17 : memref<1x1280xf32, #tpu.memory_space<hbm>> -> memref<1280xf32, #tpu.memory_space<hbm>>
      tpu.wait_dma2 semaphore(%run_scoped3A : memref<!tpu.dma_semaphore, #tpu.memory_space<semaphore_mem>>) src(%dma_wait3A_18 : memref<1280xf32, #tpu.memory_space<hbm>>) dst(%arg20 : memref<1280xf32, #tpu.memory_space<vmem>>)
      tpu.yield
    }) : () -> ()
    "tpu.region"() ({
      %run_scoped3A = tpu.sem_alloc : memref<!tpu.dma_semaphore, #tpu.memory_space<semaphore_mem>>
      %dma_start3A = arith.constant 0 : i32
      %dma_start3A_9 = tpu.memref_slice %arg7[%arg1, %dma_start3A] : memref<16x1280xf32, #tpu.memory_space<hbm>> -> memref<1x1280xf32, #tpu.memory_space<hbm>>
      %dma_start3A_10 = tpu.memref_squeeze %dma_start3A_9 : memref<1x1280xf32, #tpu.memory_space<hbm>> -> memref<1280xf32, #tpu.memory_space<hbm>>
      %dma_start3A_11 = arith.constant 0 : i32
      %dma_start3A_12 = tpu.memref_slice %arg7[%arg1, %dma_start3A_11] : memref<16x1280xf32, #tpu.memory_space<hbm>> -> memref<1x1280xf32, #tpu.memory_space<hbm>>
      %dma_start3A_13 = tpu.memref_squeeze %dma_start3A_12 : memref<1x1280xf32, #tpu.memory_space<hbm>> -> memref<1280xf32, #tpu.memory_space<hbm>>
      tpu.enqueue_dma source(%dma_start3A_13 : memref<1280xf32, #tpu.memory_space<hbm>>) target(%arg21 : memref<1280xf32, #tpu.memory_space<vmem>>) target_semaphore(%run_scoped3A : memref<!tpu.dma_semaphore, #tpu.memory_space<semaphore_mem>>)
      %dma_wait3A = arith.constant 0 : i32
      %dma_wait3A_14 = tpu.memref_slice %arg7[%arg1, %dma_wait3A] : memref<16x1280xf32, #tpu.memory_space<hbm>> -> memref<1x1280xf32, #tpu.memory_space<hbm>>
      %dma_wait3A_15 = tpu.memref_squeeze %dma_wait3A_14 : memref<1x1280xf32, #tpu.memory_space<hbm>> -> memref<1280xf32, #tpu.memory_space<hbm>>
      %dma_wait3A_16 = arith.constant 0 : i32
      %dma_wait3A_17 = tpu.memref_slice %arg7[%arg1, %dma_wait3A_16] : memref<16x1280xf32, #tpu.memory_space<hbm>> -> memref<1x1280xf32, #tpu.memory_space<hbm>>
      %dma_wait3A_18 = tpu.memref_squeeze %dma_wait3A_17 : memref<1x1280xf32, #tpu.memory_space<hbm>> -> memref<1280xf32, #tpu.memory_space<hbm>>
      tpu.wait_dma2 semaphore(%run_scoped3A : memref<!tpu.dma_semaphore, #tpu.memory_space<semaphore_mem>>) src(%dma_wait3A_18 : memref<1280xf32, #tpu.memory_space<hbm>>) dst(%arg21 : memref<1280xf32, #tpu.memory_space<vmem>>)
      tpu.yield
    }) : () -> ()
    "tpu.region"() ({
      %run_scoped3A = tpu.sem_alloc : memref<!tpu.dma_semaphore, #tpu.memory_space<semaphore_mem>>
      %dma_start3A = arith.constant 0 : i32
      %dma_start3A_9 = tpu.memref_slice %arg8[%arg1, %dma_start3A] : memref<16x1280xi32, #tpu.memory_space<hbm>> -> memref<1x1280xi32, #tpu.memory_space<hbm>>
      %dma_start3A_10 = tpu.memref_squeeze %dma_start3A_9 : memref<1x1280xi32, #tpu.memory_space<hbm>> -> memref<1280xi32, #tpu.memory_space<hbm>>
      %dma_start3A_11 = arith.constant 0 : i32
      %dma_start3A_12 = tpu.memref_slice %arg8[%arg1, %dma_start3A_11] : memref<16x1280xi32, #tpu.memory_space<hbm>> -> memref<1x1280xi32, #tpu.memory_space<hbm>>
      %dma_start3A_13 = tpu.memref_squeeze %dma_start3A_12 : memref<1x1280xi32, #tpu.memory_space<hbm>> -> memref<1280xi32, #tpu.memory_space<hbm>>
      tpu.enqueue_dma source(%dma_start3A_13 : memref<1280xi32, #tpu.memory_space<hbm>>) target(%arg22 : memref<1280xi32, #tpu.memory_space<vmem>>) target_semaphore(%run_scoped3A : memref<!tpu.dma_semaphore, #tpu.memory_space<semaphore_mem>>)
      %dma_wait3A = arith.constant 0 : i32
      %dma_wait3A_14 = tpu.memref_slice %arg8[%arg1, %dma_wait3A] : memref<16x1280xi32, #tpu.memory_space<hbm>> -> memref<1x1280xi32, #tpu.memory_space<hbm>>
      %dma_wait3A_15 = tpu.memref_squeeze %dma_wait3A_14 : memref<1x1280xi32, #tpu.memory_space<hbm>> -> memref<1280xi32, #tpu.memory_space<hbm>>
      %dma_wait3A_16 = arith.constant 0 : i32
      %dma_wait3A_17 = tpu.memref_slice %arg8[%arg1, %dma_wait3A_16] : memref<16x1280xi32, #tpu.memory_space<hbm>> -> memref<1x1280xi32, #tpu.memory_space<hbm>>
      %dma_wait3A_18 = tpu.memref_squeeze %dma_wait3A_17 : memref<1x1280xi32, #tpu.memory_space<hbm>> -> memref<1280xi32, #tpu.memory_space<hbm>>
      tpu.wait_dma2 semaphore(%run_scoped3A : memref<!tpu.dma_semaphore, #tpu.memory_space<semaphore_mem>>) src(%dma_wait3A_18 : memref<1280xi32, #tpu.memory_space<hbm>>) dst(%arg22 : memref<1280xi32, #tpu.memory_space<vmem>>)
      tpu.yield
    }) : () -> ()
    %scan3A = arith.constant 0xFF800000 : f32
    %scan3A_0 = arith.constant 0 : i32
    %scan3A_1 = arith.constant 0 : i32
    %scan3A_2 = arith.constant 100 : i32
    %scan3A_3 = arith.addi %scan3A_1, %scan3A_2 : i32
    %scan3A_4 = arith.constant 1 : i32
    %scan3A_5 = scf.for %scan3A_9 = %scan3A_1 to %scan3A_3 step %scan3A_4 iter_args(%scan3A_10 = %scan3A_0) -> (i32)  : i32 {
      %broadcast_in_dim3A = vector.broadcast %scan3A : f32 to vector<16xf32>
      %broadcast_in_dim3A_11 = arith.constant 0 : i32
      %broadcast_in_dim3A_12 = vector.broadcast %broadcast_in_dim3A_11 : i32 to vector<16xi32>
      %scan3A_13 = arith.constant 0 : i32
      %scan3A_14 = arith.constant 80 : i32
      %scan3A_15 = arith.addi %scan3A_13, %scan3A_14 : i32
      %scan3A_16 = arith.constant 1 : i32
      %scan3A_17:2 = scf.for %scan3A_248 = %scan3A_13 to %scan3A_15 step %scan3A_16 iter_args(%scan3A_249 = %broadcast_in_dim3A, %scan3A_250 = %broadcast_in_dim3A_12) -> (vector<16xf32>, vector<16xi32>)  : i32 {
        %mul3A_251 = arith.constant 16 : i32
        %mul3A_252 = arith.muli %scan3A_248, %mul3A_251 : i32
        %get3A_253 = arith.index_cast %mul3A_252 : i32 to index
        %get3A_254 = tpu.vector_load %arg16[%get3A_253] {strides = array<i32>} : memref<1280xf32, #tpu.memory_space<vmem>>, vector<16xf32>,
        %gt3A_255 = arith.cmpf ogt, %get3A_254, %scan3A_249 : vector<16xf32>
        %broadcast_in_dim3A_256 = vector.broadcast %scan3A_248 : i32 to vector<16xi32>
        %select_n3A_257 = arith.select %gt3A_255, %get3A_254, %scan3A_249 : vector<16xi1>, vector<16xf32>
        %select_n3A_258 = arith.select %gt3A_255, %broadcast_in_dim3A_256, %scan3A_250 : vector<16xi1>, vector<16xi32>
        scf.yield %select_n3A_257, %select_n3A_258 : vector<16xf32>, vector<16xi32>
      }
      %scan3A_18 = arith.constant 80 : i32
      %reduce_max3A = arith.constant true
      %reduce_max3A_19 = vector.broadcast %reduce_max3A : i1 to vector<16xi1>
      %reduce_max3A_20 = tpu.scan <max>, %scan3A_17#0 masked %reduce_max3A_19 : vector<16xf32>, vector<16xi1> -> vector<16xf32>
      %reduce_max3A_21 = vector.extract %reduce_max3A_20[15] : f32 from vector<16xf32>
      %eq3A_22 = vector.broadcast %reduce_max3A_21 : f32 to vector<16xf32>
      %eq3A_23 = arith.cmpf oeq, %scan3A_17#0, %eq3A_22 : vector<16xf32>
      %mul3A = arith.constant 16 : i32
      %mul3A_24 = vector.broadcast %mul3A : i32 to vector<16xi32>
      %mul3A_25 = arith.muli %scan3A_17#1, %mul3A_24 : vector<16xi32>
      %add3A = arith.addi %mul3A_25, %iota3A : vector<16xi32>
      %jit3A = arith.constant 1280 : i32
      %broadcast_in_dim3A_26 = vector.broadcast %jit3A : i32 to vector<16xi32>
      %select_n3A = arith.select %eq3A_23, %add3A, %broadcast_in_dim3A_26 : vector<16xi1>, vector<16xi32>
      %reduce_min3A = arith.constant true
      %reduce_min3A_27 = vector.broadcast %reduce_min3A : i1 to vector<16xi1>
      %reduce_min3A_28 = arith.constant -2147483648 : i32
      %reduce_min3A_29 = vector.broadcast %reduce_min3A_28 : i32 to vector<16xi32>
      %reduce_min3A_30 = arith.xori %select_n3A, %reduce_min3A_29 : vector<16xi32>
      %reduce_min3A_31 = tpu.scan <min>, %reduce_min3A_30 masked %reduce_min3A_27 : vector<16xi32>, vector<16xi1> -> vector<16xi32>
      %reduce_min3A_32 = arith.xori %reduce_min3A_31, %reduce_min3A_29 : vector<16xi32>
      %reduce_min3A_33 = vector.extract %reduce_min3A_32[15] : i32 from vector<16xi32>
      %mul3A_34 = arith.constant 1250 : i32
      %mul3A_35 = arith.muli %arg1, %mul3A_34 : i32
      %add3A_36 = arith.addi %mul3A_35, %reduce_min3A_33 : i32
      %jit3A_37 = arith.constant 16 : i32
      %div3A = arith.divsi %reduce_min3A_33, %jit3A_37 : i32
      %sign3A = arith.constant 0 : i32
      %sign3A_38 = arith.cmpi sgt, %reduce_min3A_33, %sign3A : i32
      %sign3A_39 = arith.extui %sign3A_38 : i1 to i32
      %sign3A_40 = arith.constant 0 : i32
      %sign3A_41 = arith.cmpi slt, %reduce_min3A_33, %sign3A_40 : i32
      %sign3A_42 = arith.extui %sign3A_41 : i1 to i32
      %sign3A_43 = arith.subi %sign3A_39, %sign3A_42 : i32
      %sign3A_44 = arith.constant 0 : i32
      %sign3A_45 = arith.cmpi sgt, %jit3A_37, %sign3A_44 : i32
      %sign3A_46 = arith.extui %sign3A_45 : i1 to i32
      %sign3A_47 = arith.constant 0 : i32
      %sign3A_48 = arith.cmpi slt, %jit3A_37, %sign3A_47 : i32
      %sign3A_49 = arith.extui %sign3A_48 : i1 to i32
      %sign3A_50 = arith.subi %sign3A_46, %sign3A_49 : i32
      %ne3A = arith.cmpi ne, %sign3A_43, %sign3A_50 : i32
      %rem3A = arith.remsi %reduce_min3A_33, %jit3A_37 : i32
      %ne3A_51 = arith.constant 0 : i32
      %ne3A_52 = arith.cmpi ne, %rem3A, %ne3A_51 : i32
      %and3A = arith.andi %ne3A, %ne3A_52 : i1
      %sub3A = arith.constant 1 : i32
      %sub3A_53 = arith.subi %div3A, %sub3A : i32
      %select_n3A_54 = arith.select %and3A, %sub3A_53, %div3A : i32
      %mul3A_55 = arith.constant 16 : i32
      %mul3A_56 = arith.muli %select_n3A_54, %mul3A_55 : i32
      %sub3A_57 = arith.subi %reduce_min3A_33, %mul3A_56 : i32
      %get3A = arith.index_cast %mul3A_56 : i32 to index
      %get3A_58 = tpu.vector_load %arg17[%get3A] {strides = array<i32>} : memref<1280xf32, #tpu.memory_space<vmem>>, vector<16xf32>,
      %eq3A_59 = vector.broadcast %sub3A_57 : i32 to vector<16xi32>
      %eq3A_60 = arith.cmpi eq, %iota3A, %eq3A_59 : vector<16xi32>
      %broadcast_in_dim3A_61 = vector.broadcast %scan3A : f32 to vector<16xf32>
      %select_n3A_62 = arith.select %eq3A_60, %get3A_58, %broadcast_in_dim3A_61 : vector<16xi1>, vector<16xf32>
      %reduce_max3A_63 = arith.constant true
      %reduce_max3A_64 = vector.broadcast %reduce_max3A_63 : i1 to vector<16xi1>
      %reduce_max3A_65 = tpu.scan <max>, %select_n3A_62 masked %reduce_max3A_64 : vector<16xf32>, vector<16xi1> -> vector<16xf32>
      %reduce_max3A_66 = vector.extract %reduce_max3A_65[15] : f32 from vector<16xf32>
      %broadcast_in_dim3A_67 = vector.broadcast %reduce_max3A_66 : f32 to vector<16xf32>
      %get3A_68 = arith.index_cast %mul3A_56 : i32 to index
      %get3A_69 = tpu.vector_load %arg18[%get3A_68] {strides = array<i32>} : memref<1280xf32, #tpu.memory_space<vmem>>, vector<16xf32>,
      %eq3A_70 = vector.broadcast %sub3A_57 : i32 to vector<16xi32>
      %eq3A_71 = arith.cmpi eq, %iota3A, %eq3A_70 : vector<16xi32>
      %broadcast_in_dim3A_72 = vector.broadcast %scan3A : f32 to vector<16xf32>
      %select_n3A_73 = arith.select %eq3A_71, %get3A_69, %broadcast_in_dim3A_72 : vector<16xi1>, vector<16xf32>
      %reduce_max3A_74 = arith.constant true
      %reduce_max3A_75 = vector.broadcast %reduce_max3A_74 : i1 to vector<16xi1>
      %reduce_max3A_76 = tpu.scan <max>, %select_n3A_73 masked %reduce_max3A_75 : vector<16xf32>, vector<16xi1> -> vector<16xf32>
      %reduce_max3A_77 = vector.extract %reduce_max3A_76[15] : f32 from vector<16xf32>
      %broadcast_in_dim3A_78 = vector.broadcast %reduce_max3A_77 : f32 to vector<16xf32>
      %get3A_79 = arith.index_cast %mul3A_56 : i32 to index
      %get3A_80 = tpu.vector_load %arg19[%get3A_79] {strides = array<i32>} : memref<1280xf32, #tpu.memory_space<vmem>>, vector<16xf32>,
      %eq3A_81 = vector.broadcast %sub3A_57 : i32 to vector<16xi32>
      %eq3A_82 = arith.cmpi eq, %iota3A, %eq3A_81 : vector<16xi32>
      %broadcast_in_dim3A_83 = vector.broadcast %scan3A : f32 to vector<16xf32>
      %select_n3A_84 = arith.select %eq3A_82, %get3A_80, %broadcast_in_dim3A_83 : vector<16xi1>, vector<16xf32>
      %reduce_max3A_85 = arith.constant true
      %reduce_max3A_86 = vector.broadcast %reduce_max3A_85 : i1 to vector<16xi1>
      %reduce_max3A_87 = tpu.scan <max>, %select_n3A_84 masked %reduce_max3A_86 : vector<16xf32>, vector<16xi1> -> vector<16xf32>
      %reduce_max3A_88 = vector.extract %reduce_max3A_87[15] : f32 from vector<16xf32>
      %broadcast_in_dim3A_89 = vector.broadcast %reduce_max3A_88 : f32 to vector<16xf32>
      %get3A_90 = arith.index_cast %mul3A_56 : i32 to index
      %get3A_91 = tpu.vector_load %arg20[%get3A_90] {strides = array<i32>} : memref<1280xf32, #tpu.memory_space<vmem>>, vector<16xf32>,
      %eq3A_92 = vector.broadcast %sub3A_57 : i32 to vector<16xi32>
      %eq3A_93 = arith.cmpi eq, %iota3A, %eq3A_92 : vector<16xi32>
      %broadcast_in_dim3A_94 = vector.broadcast %scan3A : f32 to vector<16xf32>
      %select_n3A_95 = arith.select %eq3A_93, %get3A_91, %broadcast_in_dim3A_94 : vector<16xi1>, vector<16xf32>
      %reduce_max3A_96 = arith.constant true
      %reduce_max3A_97 = vector.broadcast %reduce_max3A_96 : i1 to vector<16xi1>
      %reduce_max3A_98 = tpu.scan <max>, %select_n3A_95 masked %reduce_max3A_97 : vector<16xf32>, vector<16xi1> -> vector<16xf32>
      %reduce_max3A_99 = vector.extract %reduce_max3A_98[15] : f32 from vector<16xf32>
      %broadcast_in_dim3A_100 = vector.broadcast %reduce_max3A_99 : f32 to vector<16xf32>
      %get3A_101 = arith.index_cast %mul3A_56 : i32 to index
      %get3A_102 = tpu.vector_load %arg21[%get3A_101] {strides = array<i32>} : memref<1280xf32, #tpu.memory_space<vmem>>, vector<16xf32>,
      %eq3A_103 = vector.broadcast %sub3A_57 : i32 to vector<16xi32>
      %eq3A_104 = arith.cmpi eq, %iota3A, %eq3A_103 : vector<16xi32>
      %broadcast_in_dim3A_105 = vector.broadcast %scan3A : f32 to vector<16xf32>
      %select_n3A_106 = arith.select %eq3A_104, %get3A_102, %broadcast_in_dim3A_105 : vector<16xi1>, vector<16xf32>
      %reduce_max3A_107 = arith.constant true
      %reduce_max3A_108 = vector.broadcast %reduce_max3A_107 : i1 to vector<16xi1>
      %reduce_max3A_109 = tpu.scan <max>, %select_n3A_106 masked %reduce_max3A_108 : vector<16xf32>, vector<16xi1> -> vector<16xf32>
      %reduce_max3A_110 = vector.extract %reduce_max3A_109[15] : f32 from vector<16xf32>
      %broadcast_in_dim3A_111 = vector.broadcast %reduce_max3A_110 : f32 to vector<16xf32>
      %get3A_112 = arith.index_cast %mul3A_56 : i32 to index
      %get3A_113 = tpu.vector_load %arg22[%get3A_112] {strides = array<i32>} : memref<1280xi32, #tpu.memory_space<vmem>>, vector<16xi32>,
      %convert_element_type3A_114 = arith.sitofp %get3A_113 : vector<16xi32> to vector<16xf32>
      %eq3A_115 = vector.broadcast %sub3A_57 : i32 to vector<16xi32>
      %eq3A_116 = arith.cmpi eq, %iota3A, %eq3A_115 : vector<16xi32>
      %broadcast_in_dim3A_117 = vector.broadcast %scan3A : f32 to vector<16xf32>
      %select_n3A_118 = arith.select %eq3A_116, %convert_element_type3A_114, %broadcast_in_dim3A_117 : vector<16xi1>, vector<16xf32>
      %reduce_max3A_119 = arith.constant true
      %reduce_max3A_120 = vector.broadcast %reduce_max3A_119 : i1 to vector<16xi1>
      %reduce_max3A_121 = tpu.scan <max>, %select_n3A_118 masked %reduce_max3A_120 : vector<16xf32>, vector<16xi1> -> vector<16xf32>
      %reduce_max3A_122 = vector.extract %reduce_max3A_121[15] : f32 from vector<16xf32>
      %broadcast_in_dim3A_123 = vector.broadcast %reduce_max3A_122 : f32 to vector<16xf32>
      %broadcast_in_dim3A_124 = vector.broadcast %reduce_max3A_21 : f32 to vector<16xf32>
      %broadcast_in_dim3A_125 = vector.broadcast %add3A_36 : i32 to vector<16xi32>
      %convert_element_type3A_126 = arith.sitofp %broadcast_in_dim3A_125 : vector<16xi32> to vector<16xf32>
      %eq3A_127 = arith.constant 0 : i32
      %eq3A_128 = vector.broadcast %eq3A_127 : i32 to vector<16xi32>
      %eq3A_129 = arith.cmpi eq, %iota3A, %eq3A_128 : vector<16xi32>
      %eq3A_130 = arith.constant 1 : i32
      %eq3A_131 = vector.broadcast %eq3A_130 : i32 to vector<16xi32>
      %eq3A_132 = arith.cmpi eq, %iota3A, %eq3A_131 : vector<16xi32>
      %eq3A_133 = arith.constant 2 : i32
      %eq3A_134 = vector.broadcast %eq3A_133 : i32 to vector<16xi32>
      %eq3A_135 = arith.cmpi eq, %iota3A, %eq3A_134 : vector<16xi32>
      %eq3A_136 = arith.constant 3 : i32
      %eq3A_137 = vector.broadcast %eq3A_136 : i32 to vector<16xi32>
      %eq3A_138 = arith.cmpi eq, %iota3A, %eq3A_137 : vector<16xi32>
      %eq3A_139 = arith.constant 4 : i32
      %eq3A_140 = vector.broadcast %eq3A_139 : i32 to vector<16xi32>
      %eq3A_141 = arith.cmpi eq, %iota3A, %eq3A_140 : vector<16xi32>
      %eq3A_142 = arith.constant 5 : i32
      %eq3A_143 = vector.broadcast %eq3A_142 : i32 to vector<16xi32>
      %eq3A_144 = arith.cmpi eq, %iota3A, %eq3A_143 : vector<16xi32>
      %eq3A_145 = arith.constant 6 : i32
      %eq3A_146 = vector.broadcast %eq3A_145 : i32 to vector<16xi32>
      %eq3A_147 = arith.cmpi eq, %iota3A, %eq3A_146 : vector<16xi32>
      %select_n3A_148 = arith.select %eq3A_147, %broadcast_in_dim3A_111, %broadcast_in_dim3A_123 : vector<16xi1>, vector<16xf32>
      %select_n3A_149 = arith.select %eq3A_144, %broadcast_in_dim3A_100, %select_n3A_148 : vector<16xi1>, vector<16xf32>
      %select_n3A_150 = arith.select %eq3A_141, %broadcast_in_dim3A_89, %select_n3A_149 : vector<16xi1>, vector<16xf32>
      %select_n3A_151 = arith.select %eq3A_138, %broadcast_in_dim3A_78, %select_n3A_150 : vector<16xi1>, vector<16xf32>
      %select_n3A_152 = arith.select %eq3A_135, %broadcast_in_dim3A_67, %select_n3A_151 : vector<16xi1>, vector<16xf32>
      %select_n3A_153 = arith.select %eq3A_132, %convert_element_type3A_126, %select_n3A_152 : vector<16xi1>, vector<16xf32>
      %select_n3A_154 = arith.select %eq3A_129, %broadcast_in_dim3A_124, %select_n3A_153 : vector<16xi1>, vector<16xf32>
      %swap3A = arith.constant 0 : index
      %swap3A_155 = tpu.vector_load %arg23[%swap3A] {strides = array<i32>} : memref<16xf32, #tpu.memory_space<vmem>>, vector<16xf32>,
      tpu.vector_store %arg23[%swap3A], %select_n3A_154 {strides = array<i32>} : memref<16xf32, #tpu.memory_space<vmem>>, vector<16xf32>,
      %mul3A_156 = arith.constant 16 : i32
      %mul3A_157 = arith.muli %arg1, %mul3A_156 : i32
      "tpu.region"() ({
        %run_scoped3A = tpu.sem_alloc : memref<!tpu.dma_semaphore, #tpu.memory_space<semaphore_mem>>
        %dma_start3A = tpu.memref_slice %arg32[%mul3A_157] : memref<256xf32, #tpu.memory_space<vmem_shared>> -> memref<16xf32, #tpu.memory_space<vmem_shared>>
        %dma_start3A_248 = tpu.memref_slice %arg32[%mul3A_157] : memref<256xf32, #tpu.memory_space<vmem_shared>> -> memref<16xf32, #tpu.memory_space<vmem_shared>>
        tpu.enqueue_dma source(%arg23 : memref<16xf32, #tpu.memory_space<vmem>>) target(%dma_start3A_248 : memref<16xf32, #tpu.memory_space<vmem_shared>>) target_semaphore(%run_scoped3A : memref<!tpu.dma_semaphore, #tpu.memory_space<semaphore_mem>>)
        %dma_wait3A = tpu.memref_slice %arg32[%mul3A_157] : memref<256xf32, #tpu.memory_space<vmem_shared>> -> memref<16xf32, #tpu.memory_space<vmem_shared>>
        %dma_wait3A_249 = tpu.memref_slice %arg32[%mul3A_157] : memref<256xf32, #tpu.memory_space<vmem_shared>> -> memref<16xf32, #tpu.memory_space<vmem_shared>>
        tpu.wait_dma2 semaphore(%run_scoped3A : memref<!tpu.dma_semaphore, #tpu.memory_space<semaphore_mem>>) src(%arg23 : memref<16xf32, #tpu.memory_space<vmem>>) dst(%dma_wait3A_249 : memref<16xf32, #tpu.memory_space<vmem_shared>>)
        tpu.yield
      }) : () -> ()
      %barrier3A = arith.constant 0 : index
      tpu.barrier barrier_id(%barrier3A)
      "tpu.region"() ({
        %run_scoped3A = tpu.sem_alloc : memref<!tpu.dma_semaphore, #tpu.memory_space<semaphore_mem>>
        tpu.enqueue_dma source(%arg32 : memref<256xf32, #tpu.memory_space<vmem_shared>>) target(%arg24 : memref<256xf32, #tpu.memory_space<vmem>>) target_semaphore(%run_scoped3A : memref<!tpu.dma_semaphore, #tpu.memory_space<semaphore_mem>>)
        tpu.wait_dma2 semaphore(%run_scoped3A : memref<!tpu.dma_semaphore, #tpu.memory_space<semaphore_mem>>) src(%arg32 : memref<256xf32, #tpu.memory_space<vmem_shared>>) dst(%arg24 : memref<256xf32, #tpu.memory_space<vmem>>)
        tpu.yield
      }) : () -> ()
      %barrier3A_158 = arith.constant 0 : index
      tpu.barrier barrier_id(%barrier3A_158)
      %broadcast_in_dim3A_159 = arith.constant 0.000000e+00 : f32
      %broadcast_in_dim3A_160 = vector.broadcast %broadcast_in_dim3A_159 : f32 to vector<16xf32>
      %scan3A_161 = arith.constant 3.000000e+09 : f32
      %scan3A_162 = arith.constant 0 : i32
      %scan3A_163 = arith.constant 16 : i32
      %scan3A_164 = arith.addi %scan3A_162, %scan3A_163 : i32
      %scan3A_165 = arith.constant 1 : i32
      %scan3A_166:3 = scf.for %scan3A_248 = %scan3A_162 to %scan3A_164 step %scan3A_165 iter_args(%scan3A_249 = %scan3A, %scan3A_250 = %scan3A_161, %scan3A_251 = %broadcast_in_dim3A_160) -> (f32, f32, vector<16xf32>)  : i32 {
        %mul3A_252 = arith.constant 16 : i32
        %mul3A_253 = arith.muli %scan3A_248, %mul3A_252 : i32
        %get3A_254 = arith.index_cast %mul3A_253 : i32 to index
        %get3A_255 = tpu.vector_load %arg24[%get3A_254] {strides = array<i32>} : memref<256xf32, #tpu.memory_space<vmem>>, vector<16xf32>,
        %eq3A_256 = arith.constant 0 : i32
        %eq3A_257 = vector.broadcast %eq3A_256 : i32 to vector<16xi32>
        %eq3A_258 = arith.cmpi eq, %iota3A, %eq3A_257 : vector<16xi32>
        %broadcast_in_dim3A_259 = vector.broadcast %scan3A : f32 to vector<16xf32>
        %select_n3A_260 = arith.select %eq3A_258, %get3A_255, %broadcast_in_dim3A_259 : vector<16xi1>, vector<16xf32>
        %reduce_max3A_261 = arith.constant true
        %reduce_max3A_262 = vector.broadcast %reduce_max3A_261 : i1 to vector<16xi1>
        %reduce_max3A_263 = tpu.scan <max>, %select_n3A_260 masked %reduce_max3A_262 : vector<16xf32>, vector<16xi1> -> vector<16xf32>
        %reduce_max3A_264 = vector.extract %reduce_max3A_263[15] : f32 from vector<16xf32>
        %eq3A_265 = arith.constant 1 : i32
        %eq3A_266 = vector.broadcast %eq3A_265 : i32 to vector<16xi32>
        %eq3A_267 = arith.cmpi eq, %iota3A, %eq3A_266 : vector<16xi32>
        %broadcast_in_dim3A_268 = vector.broadcast %scan3A : f32 to vector<16xf32>
        %select_n3A_269 = arith.select %eq3A_267, %get3A_255, %broadcast_in_dim3A_268 : vector<16xi1>, vector<16xf32>
        %reduce_max3A_270 = arith.constant true
        %reduce_max3A_271 = vector.broadcast %reduce_max3A_270 : i1 to vector<16xi1>
        %reduce_max3A_272 = tpu.scan <max>, %select_n3A_269 masked %reduce_max3A_271 : vector<16xf32>, vector<16xi1> -> vector<16xf32>
        %reduce_max3A_273 = vector.extract %reduce_max3A_272[15] : f32 from vector<16xf32>
        %gt3A_274 = arith.cmpf ogt, %reduce_max3A_264, %scan3A_249 : f32
        %eq3A_275 = arith.cmpf oeq, %reduce_max3A_264, %scan3A_249 : f32
        %lt3A = arith.cmpf olt, %reduce_max3A_273, %scan3A_250 : f32
        %and3A_276 = arith.andi %eq3A_275, %lt3A : i1
        %or3A = arith.ori %gt3A_274, %and3A_276 : i1
        %select_n3A_277 = arith.select %or3A, %reduce_max3A_264, %scan3A_249 : f32
        %select_n3A_278 = arith.select %or3A, %reduce_max3A_273, %scan3A_250 : f32
        %select_n3A_279 = arith.select %or3A, %get3A_255, %scan3A_251 : vector<16xf32>
        scf.yield %select_n3A_277, %select_n3A_278, %select_n3A_279 : f32, f32, vector<16xf32>
      }
      %scan3A_167 = arith.constant 16 : i32
      %eq3A_168 = arith.constant 2 : i32
      %eq3A_169 = vector.broadcast %eq3A_168 : i32 to vector<16xi32>
      %eq3A_170 = arith.cmpi eq, %iota3A, %eq3A_169 : vector<16xi32>
      %broadcast_in_dim3A_171 = vector.broadcast %scan3A : f32 to vector<16xf32>
      %select_n3A_172 = arith.select %eq3A_170, %scan3A_166#2, %broadcast_in_dim3A_171 : vector<16xi1>, vector<16xf32>
      %reduce_max3A_173 = arith.constant true
      %reduce_max3A_174 = vector.broadcast %reduce_max3A_173 : i1 to vector<16xi1>
      %reduce_max3A_175 = tpu.scan <max>, %select_n3A_172 masked %reduce_max3A_174 : vector<16xf32>, vector<16xi1> -> vector<16xf32>
      %reduce_max3A_176 = vector.extract %reduce_max3A_175[15] : f32 from vector<16xf32>
      %broadcast_in_dim3A_177 = vector.broadcast %reduce_max3A_176 : f32 to vector<16xf32>
      %eq3A_178 = arith.constant 3 : i32
      %eq3A_179 = vector.broadcast %eq3A_178 : i32 to vector<16xi32>
      %eq3A_180 = arith.cmpi eq, %iota3A, %eq3A_179 : vector<16xi32>
      %broadcast_in_dim3A_181 = vector.broadcast %scan3A : f32 to vector<16xf32>
      %select_n3A_182 = arith.select %eq3A_180, %scan3A_166#2, %broadcast_in_dim3A_181 : vector<16xi1>, vector<16xf32>
      %reduce_max3A_183 = arith.constant true
      %reduce_max3A_184 = vector.broadcast %reduce_max3A_183 : i1 to vector<16xi1>
      %reduce_max3A_185 = tpu.scan <max>, %select_n3A_182 masked %reduce_max3A_184 : vector<16xf32>, vector<16xi1> -> vector<16xf32>
      %reduce_max3A_186 = vector.extract %reduce_max3A_185[15] : f32 from vector<16xf32>
      %broadcast_in_dim3A_187 = vector.broadcast %reduce_max3A_186 : f32 to vector<16xf32>
      %eq3A_188 = arith.constant 4 : i32
      %eq3A_189 = vector.broadcast %eq3A_188 : i32 to vector<16xi32>
      %eq3A_190 = arith.cmpi eq, %iota3A, %eq3A_189 : vector<16xi32>
      %broadcast_in_dim3A_191 = vector.broadcast %scan3A : f32 to vector<16xf32>
      %select_n3A_192 = arith.select %eq3A_190, %scan3A_166#2, %broadcast_in_dim3A_191 : vector<16xi1>, vector<16xf32>
      %reduce_max3A_193 = arith.constant true
      %reduce_max3A_194 = vector.broadcast %reduce_max3A_193 : i1 to vector<16xi1>
      %reduce_max3A_195 = tpu.scan <max>, %select_n3A_192 masked %reduce_max3A_194 : vector<16xf32>, vector<16xi1> -> vector<16xf32>
      %reduce_max3A_196 = vector.extract %reduce_max3A_195[15] : f32 from vector<16xf32>
      %broadcast_in_dim3A_197 = vector.broadcast %reduce_max3A_196 : f32 to vector<16xf32>
      %eq3A_198 = arith.constant 5 : i32
      %eq3A_199 = vector.broadcast %eq3A_198 : i32 to vector<16xi32>
      %eq3A_200 = arith.cmpi eq, %iota3A, %eq3A_199 : vector<16xi32>
      %broadcast_in_dim3A_201 = vector.broadcast %scan3A : f32 to vector<16xf32>
      %select_n3A_202 = arith.select %eq3A_200, %scan3A_166#2, %broadcast_in_dim3A_201 : vector<16xi1>, vector<16xf32>
      %reduce_max3A_203 = arith.constant true
      %reduce_max3A_204 = vector.broadcast %reduce_max3A_203 : i1 to vector<16xi1>
      %reduce_max3A_205 = tpu.scan <max>, %select_n3A_202 masked %reduce_max3A_204 : vector<16xf32>, vector<16xi1> -> vector<16xf32>
      %reduce_max3A_206 = vector.extract %reduce_max3A_205[15] : f32 from vector<16xf32>
      %broadcast_in_dim3A_207 = vector.broadcast %reduce_max3A_206 : f32 to vector<16xf32>
      %eq3A_208 = arith.constant 6 : i32
      %eq3A_209 = vector.broadcast %eq3A_208 : i32 to vector<16xi32>
      %eq3A_210 = arith.cmpi eq, %iota3A, %eq3A_209 : vector<16xi32>
      %broadcast_in_dim3A_211 = vector.broadcast %scan3A : f32 to vector<16xf32>
      %select_n3A_212 = arith.select %eq3A_210, %scan3A_166#2, %broadcast_in_dim3A_211 : vector<16xi1>, vector<16xf32>
      %reduce_max3A_213 = arith.constant true
      %reduce_max3A_214 = vector.broadcast %reduce_max3A_213 : i1 to vector<16xi1>
      %reduce_max3A_215 = tpu.scan <max>, %select_n3A_212 masked %reduce_max3A_214 : vector<16xf32>, vector<16xi1> -> vector<16xf32>
      %reduce_max3A_216 = vector.extract %reduce_max3A_215[15] : f32 from vector<16xf32>
      %broadcast_in_dim3A_217 = vector.broadcast %reduce_max3A_216 : f32 to vector<16xf32>
      %eq3A_218 = arith.constant 7 : i32
      %eq3A_219 = vector.broadcast %eq3A_218 : i32 to vector<16xi32>
      %eq3A_220 = arith.cmpi eq, %iota3A, %eq3A_219 : vector<16xi32>
      %broadcast_in_dim3A_221 = vector.broadcast %scan3A : f32 to vector<16xf32>
      %select_n3A_222 = arith.select %eq3A_220, %scan3A_166#2, %broadcast_in_dim3A_221 : vector<16xi1>, vector<16xf32>
      %reduce_max3A_223 = arith.constant true
      %reduce_max3A_224 = vector.broadcast %reduce_max3A_223 : i1 to vector<16xi1>
      %reduce_max3A_225 = tpu.scan <max>, %select_n3A_222 masked %reduce_max3A_224 : vector<16xf32>, vector<16xi1> -> vector<16xf32>
      %reduce_max3A_226 = vector.extract %reduce_max3A_225[15] : f32 from vector<16xf32>
      %broadcast_in_dim3A_227 = vector.broadcast %reduce_max3A_226 : f32 to vector<16xf32>
      %broadcast_in_dim3A_228 = vector.broadcast %scan3A_166#0 : f32 to vector<16xf32>
      %gt3A = vector.broadcast %scan3A : f32 to vector<16xf32>
      %gt3A_229 = arith.cmpf ogt, %broadcast_in_dim3A_228, %gt3A : vector<16xf32>
      %mul3A_230 = arith.constant 1250 : i32
      %mul3A_231 = arith.muli %arg1, %mul3A_230 : i32
      %scan3A_232 = arith.constant 0 : i32
      %scan3A_233 = arith.constant 0 : i32
      %scan3A_234 = arith.constant 80 : i32
      %scan3A_235 = arith.addi %scan3A_233, %scan3A_234 : i32
      %scan3A_236 = arith.constant 1 : i32
      scf.for %scan3A_248 = %scan3A_233 to %scan3A_235 step %scan3A_236  : i32 {
        %mul3A_249 = arith.constant 16 : i32
        %mul3A_250 = arith.muli %scan3A_248, %mul3A_249 : i32
        %get3A_251 = arith.index_cast %mul3A_250 : i32 to index
        %get3A_252 = tpu.vector_load %arg17[%get3A_251] {strides = array<i32>} : memref<1280xf32, #tpu.memory_space<vmem>>, vector<16xf32>,
        %mul3A_253 = arith.constant 16 : i32
        %mul3A_254 = arith.muli %scan3A_248, %mul3A_253 : i32
        %get3A_255 = arith.index_cast %mul3A_254 : i32 to index
        %get3A_256 = tpu.vector_load %arg18[%get3A_255] {strides = array<i32>} : memref<1280xf32, #tpu.memory_space<vmem>>, vector<16xf32>,
        %mul3A_257 = arith.constant 16 : i32
        %mul3A_258 = arith.muli %scan3A_248, %mul3A_257 : i32
        %get3A_259 = arith.index_cast %mul3A_258 : i32 to index
        %get3A_260 = tpu.vector_load %arg19[%get3A_259] {strides = array<i32>} : memref<1280xf32, #tpu.memory_space<vmem>>, vector<16xf32>,
        %mul3A_261 = arith.constant 16 : i32
        %mul3A_262 = arith.muli %scan3A_248, %mul3A_261 : i32
        %get3A_263 = arith.index_cast %mul3A_262 : i32 to index
        %get3A_264 = tpu.vector_load %arg20[%get3A_263] {strides = array<i32>} : memref<1280xf32, #tpu.memory_space<vmem>>, vector<16xf32>,
        %mul3A_265 = arith.constant 16 : i32
        %mul3A_266 = arith.muli %scan3A_248, %mul3A_265 : i32
        %get3A_267 = arith.index_cast %mul3A_266 : i32 to index
        %get3A_268 = tpu.vector_load %arg21[%get3A_267] {strides = array<i32>} : memref<1280xf32, #tpu.memory_space<vmem>>, vector<16xf32>,
        %mul3A_269 = arith.constant 16 : i32
        %mul3A_270 = arith.muli %scan3A_248, %mul3A_269 : i32
        %get3A_271 = arith.index_cast %mul3A_270 : i32 to index
        %get3A_272 = tpu.vector_load %arg16[%get3A_271] {strides = array<i32>} : memref<1280xf32, #tpu.memory_space<vmem>>, vector<16xf32>,
        %max3A = arith.maximumf %get3A_252, %broadcast_in_dim3A_177 : vector<16xf32>
        %max3A_273 = arith.maximumf %get3A_256, %broadcast_in_dim3A_187 : vector<16xf32>
        %min3A = arith.minimumf %get3A_260, %broadcast_in_dim3A_197 : vector<16xf32>
        %min3A_274 = arith.minimumf %get3A_264, %broadcast_in_dim3A_207 : vector<16xf32>
        %sub3A_275 = arith.subf %min3A, %max3A : vector<16xf32>
        %max3A_276 = arith.constant 0.000000e+00 : f32
        %max3A_277 = vector.broadcast %max3A_276 : f32 to vector<16xf32>
        %max3A_278 = arith.maximumf %sub3A_275, %max3A_277 : vector<16xf32>
        %sub3A_279 = arith.subf %min3A_274, %max3A_273 : vector<16xf32>
        %max3A_280 = arith.constant 0.000000e+00 : f32
        %max3A_281 = vector.broadcast %max3A_280 : f32 to vector<16xf32>
        %max3A_282 = arith.maximumf %sub3A_279, %max3A_281 : vector<16xf32>
        %mul3A_283 = arith.mulf %max3A_278, %max3A_282 : vector<16xf32>
        %add3A_284 = arith.addf %get3A_268, %broadcast_in_dim3A_217 : vector<16xf32>
        %sub3A_285 = arith.subf %add3A_284, %mul3A_283 : vector<16xf32>
        %add3A_286 = arith.constant 9.99999993E-9 : f32
        %add3A_287 = vector.broadcast %add3A_286 : f32 to vector<16xf32>
        %add3A_288 = arith.addf %sub3A_285, %add3A_287 : vector<16xf32>
        %div3A_289 = arith.divf %mul3A_283, %add3A_288 : vector<16xf32>
        %mul3A_290 = arith.constant 16 : i32
        %mul3A_291 = arith.muli %scan3A_248, %mul3A_290 : i32
        %add3A_292 = arith.addi %mul3A_231, %mul3A_291 : i32
        %broadcast_in_dim3A_293 = vector.broadcast %add3A_292 : i32 to vector<16xi32>
        %add3A_294 = arith.addi %broadcast_in_dim3A_293, %iota3A : vector<16xi32>
        %convert_element_type3A_295 = arith.sitofp %add3A_294 : vector<16xi32> to vector<16xf32>
        %gt3A_296 = arith.constant 5.000000e-01 : f32
        %gt3A_297 = vector.broadcast %gt3A_296 : f32 to vector<16xf32>
        %gt3A_298 = arith.cmpf ogt, %div3A_289, %gt3A_297 : vector<16xf32>
        %eq3A_299 = vector.broadcast %scan3A_166#1 : f32 to vector<16xf32>
        %eq3A_300 = arith.cmpf oeq, %convert_element_type3A_295, %eq3A_299 : vector<16xf32>
        %or3A = arith.ori %gt3A_298, %eq3A_300 : vector<16xi1>
        %and3A_301 = arith.andi %gt3A_229, %or3A : vector<16xi1>
        %broadcast_in_dim3A_302 = vector.broadcast %scan3A : f32 to vector<16xf32>
        %select_n3A_303 = arith.select %and3A_301, %broadcast_in_dim3A_302, %get3A_272 : vector<16xi1>, vector<16xf32>
        %mul3A_304 = arith.constant 16 : i32
        %mul3A_305 = arith.muli %scan3A_248, %mul3A_304 : i32
        %swap3A_306 = arith.index_cast %mul3A_305 : i32 to index
        %swap3A_307 = tpu.vector_load %arg16[%swap3A_306] {strides = array<i32>} : memref<1280xf32, #tpu.memory_space<vmem>>, vector<16xf32>,
        tpu.vector_store %arg16[%swap3A_306], %select_n3A_303 {strides = array<i32>} : memref<1280xf32, #tpu.memory_space<vmem>>, vector<16xf32>,
      }
      %scan3A_237 = arith.constant 80 : i32
      %eq3A_238 = arith.constant 0 : i32
      %eq3A_239 = arith.cmpi eq, %arg1, %eq3A_238 : i32
      %convert_element_type3A_240 = arith.extui %eq3A_239 : i1 to i32
      %cond3A_241 = arith.constant 0 : i32
      %cond3A_242 = arith.cmpi ne, %convert_element_type3A_240, %cond3A_241 : i32
      scf.if %cond3A_242 {
        %jit3A_248 = arith.constant 16 : i32
        %div3A_249 = arith.divsi %scan3A_9, %jit3A_248 : i32
        %sign3A_250 = arith.constant 0 : i32
        %sign3A_251 = arith.cmpi sgt, %scan3A_9, %sign3A_250 : i32
        %sign3A_252 = arith.extui %sign3A_251 : i1 to i32
        %sign3A_253 = arith.constant 0 : i32
        %sign3A_254 = arith.cmpi slt, %scan3A_9, %sign3A_253 : i32
        %sign3A_255 = arith.extui %sign3A_254 : i1 to i32
        %sign3A_256 = arith.subi %sign3A_252, %sign3A_255 : i32
        %sign3A_257 = arith.constant 0 : i32
        %sign3A_258 = arith.cmpi sgt, %jit3A_248, %sign3A_257 : i32
        %sign3A_259 = arith.extui %sign3A_258 : i1 to i32
        %sign3A_260 = arith.constant 0 : i32
        %sign3A_261 = arith.cmpi slt, %jit3A_248, %sign3A_260 : i32
        %sign3A_262 = arith.extui %sign3A_261 : i1 to i32
        %sign3A_263 = arith.subi %sign3A_259, %sign3A_262 : i32
        %ne3A_264 = arith.cmpi ne, %sign3A_256, %sign3A_263 : i32
        %rem3A_265 = arith.remsi %scan3A_9, %jit3A_248 : i32
        %ne3A_266 = arith.constant 0 : i32
        %ne3A_267 = arith.cmpi ne, %rem3A_265, %ne3A_266 : i32
        %and3A_268 = arith.andi %ne3A_264, %ne3A_267 : i1
        %sub3A_269 = arith.constant 1 : i32
        %sub3A_270 = arith.subi %div3A_249, %sub3A_269 : i32
        %select_n3A_271 = arith.select %and3A_268, %sub3A_270, %div3A_249 : i32
        %mul3A_272 = arith.constant 16 : i32
        %mul3A_273 = arith.muli %select_n3A_271, %mul3A_272 : i32
        %sub3A_274 = arith.subi %scan3A_9, %mul3A_273 : i32
        %eq3A_275 = vector.broadcast %sub3A_274 : i32 to vector<16xi32>
        %eq3A_276 = arith.cmpi eq, %iota3A, %eq3A_275 : vector<16xi32>
        %get3A_277 = arith.index_cast %mul3A_273 : i32 to index
        %get3A_278 = tpu.vector_load %arg25[%get3A_277] {strides = array<i32>} : memref<112xf32, #tpu.memory_space<vmem>>, vector<16xf32>,
        %jit3A_279 = arith.constant 0.000000e+00 : f32
        %broadcast_in_dim3A_280 = vector.broadcast %jit3A_279 : f32 to vector<16xf32>
        %select_n3A_281 = arith.select %gt3A_229, %broadcast_in_dim3A_177, %broadcast_in_dim3A_280 : vector<16xi1>, vector<16xf32>
        %select_n3A_282 = arith.select %eq3A_276, %select_n3A_281, %get3A_278 : vector<16xi1>, vector<16xf32>
        %swap3A_283 = arith.index_cast %mul3A_273 : i32 to index
        %swap3A_284 = tpu.vector_load %arg25[%swap3A_283] {strides = array<i32>} : memref<112xf32, #tpu.memory_space<vmem>>, vector<16xf32>,
        tpu.vector_store %arg25[%swap3A_283], %select_n3A_282 {strides = array<i32>} : memref<112xf32, #tpu.memory_space<vmem>>, vector<16xf32>,
        %get3A_285 = arith.index_cast %mul3A_273 : i32 to index
        %get3A_286 = tpu.vector_load %arg26[%get3A_285] {strides = array<i32>} : memref<112xf32, #tpu.memory_space<vmem>>, vector<16xf32>,
        %jit3A_287 = arith.constant 0.000000e+00 : f32
        %broadcast_in_dim3A_288 = vector.broadcast %jit3A_287 : f32 to vector<16xf32>
        %select_n3A_289 = arith.select %gt3A_229, %broadcast_in_dim3A_187, %broadcast_in_dim3A_288 : vector<16xi1>, vector<16xf32>
        %select_n3A_290 = arith.select %eq3A_276, %select_n3A_289, %get3A_286 : vector<16xi1>, vector<16xf32>
        %swap3A_291 = arith.index_cast %mul3A_273 : i32 to index
        %swap3A_292 = tpu.vector_load %arg26[%swap3A_291] {strides = array<i32>} : memref<112xf32, #tpu.memory_space<vmem>>, vector<16xf32>,
        tpu.vector_store %arg26[%swap3A_291], %select_n3A_290 {strides = array<i32>} : memref<112xf32, #tpu.memory_space<vmem>>, vector<16xf32>,
        %get3A_293 = arith.index_cast %mul3A_273 : i32 to index
        %get3A_294 = tpu.vector_load %arg27[%get3A_293] {strides = array<i32>} : memref<112xf32, #tpu.memory_space<vmem>>, vector<16xf32>,
        %jit3A_295 = arith.constant 0.000000e+00 : f32
        %broadcast_in_dim3A_296 = vector.broadcast %jit3A_295 : f32 to vector<16xf32>
        %select_n3A_297 = arith.select %gt3A_229, %broadcast_in_dim3A_197, %broadcast_in_dim3A_296 : vector<16xi1>, vector<16xf32>
        %select_n3A_298 = arith.select %eq3A_276, %select_n3A_297, %get3A_294 : vector<16xi1>, vector<16xf32>
        %swap3A_299 = arith.index_cast %mul3A_273 : i32 to index
        %swap3A_300 = tpu.vector_load %arg27[%swap3A_299] {strides = array<i32>} : memref<112xf32, #tpu.memory_space<vmem>>, vector<16xf32>,
        tpu.vector_store %arg27[%swap3A_299], %select_n3A_298 {strides = array<i32>} : memref<112xf32, #tpu.memory_space<vmem>>, vector<16xf32>,
        %get3A_301 = arith.index_cast %mul3A_273 : i32 to index
        %get3A_302 = tpu.vector_load %arg28[%get3A_301] {strides = array<i32>} : memref<112xf32, #tpu.memory_space<vmem>>, vector<16xf32>,
        %jit3A_303 = arith.constant 0.000000e+00 : f32
        %broadcast_in_dim3A_304 = vector.broadcast %jit3A_303 : f32 to vector<16xf32>
        %select_n3A_305 = arith.select %gt3A_229, %broadcast_in_dim3A_207, %broadcast_in_dim3A_304 : vector<16xi1>, vector<16xf32>
        %select_n3A_306 = arith.select %eq3A_276, %select_n3A_305, %get3A_302 : vector<16xi1>, vector<16xf32>
        %swap3A_307 = arith.index_cast %mul3A_273 : i32 to index
        %swap3A_308 = tpu.vector_load %arg28[%swap3A_307] {strides = array<i32>} : memref<112xf32, #tpu.memory_space<vmem>>, vector<16xf32>,
        tpu.vector_store %arg28[%swap3A_307], %select_n3A_306 {strides = array<i32>} : memref<112xf32, #tpu.memory_space<vmem>>, vector<16xf32>,
        %broadcast_in_dim3A_309 = vector.broadcast %scan3A_166#0 : f32 to vector<16xf32>
        %get3A_310 = arith.index_cast %mul3A_273 : i32 to index
        %get3A_311 = tpu.vector_load %arg29[%get3A_310] {strides = array<i32>} : memref<112xf32, #tpu.memory_space<vmem>>, vector<16xf32>,
        %jit3A_312 = arith.constant 0.000000e+00 : f32
        %broadcast_in_dim3A_313 = vector.broadcast %jit3A_312 : f32 to vector<16xf32>
        %select_n3A_314 = arith.select %gt3A_229, %broadcast_in_dim3A_309, %broadcast_in_dim3A_313 : vector<16xi1>, vector<16xf32>
        %select_n3A_315 = arith.select %eq3A_276, %select_n3A_314, %get3A_311 : vector<16xi1>, vector<16xf32>
        %swap3A_316 = arith.index_cast %mul3A_273 : i32 to index
        %swap3A_317 = tpu.vector_load %arg29[%swap3A_316] {strides = array<i32>} : memref<112xf32, #tpu.memory_space<vmem>>, vector<16xf32>,
        tpu.vector_store %arg29[%swap3A_316], %select_n3A_315 {strides = array<i32>} : memref<112xf32, #tpu.memory_space<vmem>>, vector<16xf32>,
        %get3A_318 = arith.index_cast %mul3A_273 : i32 to index
        %get3A_319 = tpu.vector_load %arg30[%get3A_318] {strides = array<i32>} : memref<112xi32, #tpu.memory_space<vmem>>, vector<16xi32>,
        %convert_element_type3A_320 = arith.fptosi %broadcast_in_dim3A_227 : vector<16xf32> to vector<16xi32>
        %jit3A_321 = arith.constant 0 : i32
        %broadcast_in_dim3A_322 = vector.broadcast %jit3A_321 : i32 to vector<16xi32>
        %select_n3A_323 = arith.select %gt3A_229, %convert_element_type3A_320, %broadcast_in_dim3A_322 : vector<16xi1>, vector<16xi32>
        %select_n3A_324 = arith.select %eq3A_276, %select_n3A_323, %get3A_319 : vector<16xi1>, vector<16xi32>
        %swap3A_325 = arith.index_cast %mul3A_273 : i32 to index
        %swap3A_326 = tpu.vector_load %arg30[%swap3A_325] {strides = array<i32>} : memref<112xi32, #tpu.memory_space<vmem>>, vector<16xi32>,
        tpu.vector_store %arg30[%swap3A_325], %select_n3A_324 {strides = array<i32>} : memref<112xi32, #tpu.memory_space<vmem>>, vector<16xi32>,
      } else {
      }
      %gt3A_243 = arith.cmpf ogt, %scan3A_166#0, %scan3A : f32
      %jit3A_244 = arith.constant 1 : i32
      %jit3A_245 = arith.constant 0 : i32
      %select_n3A_246 = arith.select %gt3A_243, %jit3A_244, %jit3A_245 : i32
      %add3A_247 = arith.addi %scan3A_10, %select_n3A_246 : i32
      scf.yield %add3A_247 : i32
    }
    %scan3A_6 = arith.constant 100 : i32
    %eq3A = arith.constant 0 : i32
    %eq3A_7 = arith.cmpi eq, %arg1, %eq3A : i32
    %convert_element_type3A = arith.extui %eq3A_7 : i1 to i32
    %cond3A = arith.constant 0 : i32
    %cond3A_8 = arith.cmpi ne, %convert_element_type3A, %cond3A : i32
    scf.if %cond3A_8 {
      %eq3A_9 = arith.constant 0 : i32
      %eq3A_10 = vector.broadcast %eq3A_9 : i32 to vector<16xi32>
      %eq3A_11 = arith.cmpi eq, %iota3A, %eq3A_10 : vector<16xi32>
      %broadcast_in_dim3A = vector.broadcast %scan3A_5 : i32 to vector<16xi32>
      %jit3A = arith.constant 0 : i32
      %broadcast_in_dim3A_12 = vector.broadcast %jit3A : i32 to vector<16xi32>
      %select_n3A = arith.select %eq3A_11, %broadcast_in_dim3A, %broadcast_in_dim3A_12 : vector<16xi1>, vector<16xi32>
      %swap3A = arith.constant 0 : index
      %swap3A_13 = tpu.vector_load %arg31[%swap3A] {strides = array<i32>} : memref<16xi32, #tpu.memory_space<vmem>>, vector<16xi32>,
      tpu.vector_store %arg31[%swap3A], %select_n3A {strides = array<i32>} : memref<16xi32, #tpu.memory_space<vmem>>, vector<16xi32>,
      "tpu.region"() ({
        %run_scoped3A = tpu.sem_alloc : memref<!tpu.dma_semaphore, #tpu.memory_space<semaphore_mem>>
        tpu.enqueue_dma source(%arg25 : memref<112xf32, #tpu.memory_space<vmem>>) target(%arg9 : memref<112xf32, #tpu.memory_space<hbm>>) target_semaphore(%run_scoped3A : memref<!tpu.dma_semaphore, #tpu.memory_space<semaphore_mem>>)
        tpu.wait_dma2 semaphore(%run_scoped3A : memref<!tpu.dma_semaphore, #tpu.memory_space<semaphore_mem>>) src(%arg25 : memref<112xf32, #tpu.memory_space<vmem>>) dst(%arg9 : memref<112xf32, #tpu.memory_space<hbm>>)
        tpu.yield
      }) : () -> ()
      "tpu.region"() ({
        %run_scoped3A = tpu.sem_alloc : memref<!tpu.dma_semaphore, #tpu.memory_space<semaphore_mem>>
        tpu.enqueue_dma source(%arg26 : memref<112xf32, #tpu.memory_space<vmem>>) target(%arg10 : memref<112xf32, #tpu.memory_space<hbm>>) target_semaphore(%run_scoped3A : memref<!tpu.dma_semaphore, #tpu.memory_space<semaphore_mem>>)
        tpu.wait_dma2 semaphore(%run_scoped3A : memref<!tpu.dma_semaphore, #tpu.memory_space<semaphore_mem>>) src(%arg26 : memref<112xf32, #tpu.memory_space<vmem>>) dst(%arg10 : memref<112xf32, #tpu.memory_space<hbm>>)
        tpu.yield
      }) : () -> ()
      "tpu.region"() ({
        %run_scoped3A = tpu.sem_alloc : memref<!tpu.dma_semaphore, #tpu.memory_space<semaphore_mem>>
        tpu.enqueue_dma source(%arg27 : memref<112xf32, #tpu.memory_space<vmem>>) target(%arg11 : memref<112xf32, #tpu.memory_space<hbm>>) target_semaphore(%run_scoped3A : memref<!tpu.dma_semaphore, #tpu.memory_space<semaphore_mem>>)
        tpu.wait_dma2 semaphore(%run_scoped3A : memref<!tpu.dma_semaphore, #tpu.memory_space<semaphore_mem>>) src(%arg27 : memref<112xf32, #tpu.memory_space<vmem>>) dst(%arg11 : memref<112xf32, #tpu.memory_space<hbm>>)
        tpu.yield
      }) : () -> ()
      "tpu.region"() ({
        %run_scoped3A = tpu.sem_alloc : memref<!tpu.dma_semaphore, #tpu.memory_space<semaphore_mem>>
        tpu.enqueue_dma source(%arg28 : memref<112xf32, #tpu.memory_space<vmem>>) target(%arg12 : memref<112xf32, #tpu.memory_space<hbm>>) target_semaphore(%run_scoped3A : memref<!tpu.dma_semaphore, #tpu.memory_space<semaphore_mem>>)
        tpu.wait_dma2 semaphore(%run_scoped3A : memref<!tpu.dma_semaphore, #tpu.memory_space<semaphore_mem>>) src(%arg28 : memref<112xf32, #tpu.memory_space<vmem>>) dst(%arg12 : memref<112xf32, #tpu.memory_space<hbm>>)
        tpu.yield
      }) : () -> ()
      "tpu.region"() ({
        %run_scoped3A = tpu.sem_alloc : memref<!tpu.dma_semaphore, #tpu.memory_space<semaphore_mem>>
        tpu.enqueue_dma source(%arg29 : memref<112xf32, #tpu.memory_space<vmem>>) target(%arg13 : memref<112xf32, #tpu.memory_space<hbm>>) target_semaphore(%run_scoped3A : memref<!tpu.dma_semaphore, #tpu.memory_space<semaphore_mem>>)
        tpu.wait_dma2 semaphore(%run_scoped3A : memref<!tpu.dma_semaphore, #tpu.memory_space<semaphore_mem>>) src(%arg29 : memref<112xf32, #tpu.memory_space<vmem>>) dst(%arg13 : memref<112xf32, #tpu.memory_space<hbm>>)
        tpu.yield
      }) : () -> ()
      "tpu.region"() ({
        %run_scoped3A = tpu.sem_alloc : memref<!tpu.dma_semaphore, #tpu.memory_space<semaphore_mem>>
        tpu.enqueue_dma source(%arg30 : memref<112xi32, #tpu.memory_space<vmem>>) target(%arg14 : memref<112xi32, #tpu.memory_space<hbm>>) target_semaphore(%run_scoped3A : memref<!tpu.dma_semaphore, #tpu.memory_space<semaphore_mem>>)
        tpu.wait_dma2 semaphore(%run_scoped3A : memref<!tpu.dma_semaphore, #tpu.memory_space<semaphore_mem>>) src(%arg30 : memref<112xi32, #tpu.memory_space<vmem>>) dst(%arg14 : memref<112xi32, #tpu.memory_space<hbm>>)
        tpu.yield
      }) : () -> ()
      "tpu.region"() ({
        %run_scoped3A = tpu.sem_alloc : memref<!tpu.dma_semaphore, #tpu.memory_space<semaphore_mem>>
        tpu.enqueue_dma source(%arg31 : memref<16xi32, #tpu.memory_space<vmem>>) target(%arg15 : memref<16xi32, #tpu.memory_space<hbm>>) target_semaphore(%run_scoped3A : memref<!tpu.dma_semaphore, #tpu.memory_space<semaphore_mem>>)
        tpu.wait_dma2 semaphore(%run_scoped3A : memref<!tpu.dma_semaphore, #tpu.memory_space<semaphore_mem>>) src(%arg31 : memref<16xi32, #tpu.memory_space<vmem>>) dst(%arg15 : memref<16xi32, #tpu.memory_space<hbm>>)
        tpu.yield
      }) : () -> ()
    } else {
    }
    return
  }
}

module attributes {stable_mosaic.version = 14 : i64} {
  func.func @_prep_kernel(%arg0: memref<4x16x1250xf32, #tpu.memory_space<vmem>>, %arg1: memref<4x16x1250xf32, #tpu.memory_space<vmem>>, %arg2: memref<16x1250x90xf32, #tpu.memory_space<vmem>>, %arg3: memref<16x1280xf32, #tpu.memory_space<vmem>>, %arg4: memref<16x1280xf32, #tpu.memory_space<vmem>>, %arg5: memref<16x1280xf32, #tpu.memory_space<vmem>>, %arg6: memref<16x1280xf32, #tpu.memory_space<vmem>>, %arg7: memref<16x1280xf32, #tpu.memory_space<vmem>>, %arg8: memref<16x1280xf32, #tpu.memory_space<vmem>>, %arg9: memref<16x1280xi32, #tpu.memory_space<vmem>>) attributes {dimension_semantics = [], scalar_prefetch = 0 : i64, scratch_operands = 0 : i64, tpu.core_type = #tpu.core_type<tc>} {
    %get3A = arith.constant 0 : index
    %get3A_0 = arith.constant 0 : index
    %get3A_1 = arith.constant 0 : index
    %get3A_2 = vector.load %arg0[%get3A, %get3A_0, %get3A_1] : memref<4x16x1250xf32, #tpu.memory_space<vmem>>, vector<1x16x1250xf32>
    %get3A_3 = vector.shape_cast %get3A_2 : vector<1x16x1250xf32> to vector<16x1250xf32>
    %get3A_4 = arith.constant 1 : index
    %get3A_5 = arith.constant 0 : index
    %get3A_6 = arith.constant 0 : index
    %get3A_7 = vector.load %arg0[%get3A_4, %get3A_5, %get3A_6] : memref<4x16x1250xf32, #tpu.memory_space<vmem>>, vector<1x16x1250xf32>
    %get3A_8 = vector.shape_cast %get3A_7 : vector<1x16x1250xf32> to vector<16x1250xf32>
    %get3A_9 = arith.constant 2 : index
    %get3A_10 = arith.constant 0 : index
    %get3A_11 = arith.constant 0 : index
    %get3A_12 = vector.load %arg0[%get3A_9, %get3A_10, %get3A_11] : memref<4x16x1250xf32, #tpu.memory_space<vmem>>, vector<1x16x1250xf32>
    %get3A_13 = vector.shape_cast %get3A_12 : vector<1x16x1250xf32> to vector<16x1250xf32>
    %get3A_14 = arith.constant 3 : index
    %get3A_15 = arith.constant 0 : index
    %get3A_16 = arith.constant 0 : index
    %get3A_17 = vector.load %arg0[%get3A_14, %get3A_15, %get3A_16] : memref<4x16x1250xf32, #tpu.memory_space<vmem>>, vector<1x16x1250xf32>
    %get3A_18 = vector.shape_cast %get3A_17 : vector<1x16x1250xf32> to vector<16x1250xf32>
    %get3A_19 = arith.constant 0 : index
    %get3A_20 = arith.constant 0 : index
    %get3A_21 = arith.constant 0 : index
    %get3A_22 = vector.load %arg1[%get3A_19, %get3A_20, %get3A_21] : memref<4x16x1250xf32, #tpu.memory_space<vmem>>, vector<1x16x1250xf32>
    %get3A_23 = vector.shape_cast %get3A_22 : vector<1x16x1250xf32> to vector<16x1250xf32>
    %get3A_24 = arith.constant 1 : index
    %get3A_25 = arith.constant 0 : index
    %get3A_26 = arith.constant 0 : index
    %get3A_27 = vector.load %arg1[%get3A_24, %get3A_25, %get3A_26] : memref<4x16x1250xf32, #tpu.memory_space<vmem>>, vector<1x16x1250xf32>
    %get3A_28 = vector.shape_cast %get3A_27 : vector<1x16x1250xf32> to vector<16x1250xf32>
    %get3A_29 = arith.constant 2 : index
    %get3A_30 = arith.constant 0 : index
    %get3A_31 = arith.constant 0 : index
    %get3A_32 = vector.load %arg1[%get3A_29, %get3A_30, %get3A_31] : memref<4x16x1250xf32, #tpu.memory_space<vmem>>, vector<1x16x1250xf32>
    %get3A_33 = vector.shape_cast %get3A_32 : vector<1x16x1250xf32> to vector<16x1250xf32>
    %get3A_34 = arith.constant 3 : index
    %get3A_35 = arith.constant 0 : index
    %get3A_36 = arith.constant 0 : index
    %get3A_37 = vector.load %arg1[%get3A_34, %get3A_35, %get3A_36] : memref<4x16x1250xf32, #tpu.memory_space<vmem>>, vector<1x16x1250xf32>
    %get3A_38 = vector.shape_cast %get3A_37 : vector<1x16x1250xf32> to vector<16x1250xf32>
    %add3A = arith.addf %get3A_3, %get3A_13 : vector<16x1250xf32>
    %div3A = arith.constant 2.000000e+00 : f32
    %div3A_39 = vector.broadcast %div3A : f32 to vector<16x1250xf32>
    %div3A_40 = arith.divf %add3A, %div3A_39 : vector<16x1250xf32>
    %add3A_41 = arith.addf %get3A_8, %get3A_18 : vector<16x1250xf32>
    %div3A_42 = arith.constant 2.000000e+00 : f32
    %div3A_43 = vector.broadcast %div3A_42 : f32 to vector<16x1250xf32>
    %div3A_44 = arith.divf %add3A_41, %div3A_43 : vector<16x1250xf32>
    %sub3A = arith.subf %get3A_13, %get3A_3 : vector<16x1250xf32>
    %sub3A_45 = arith.subf %get3A_18, %get3A_8 : vector<16x1250xf32>
    %exp3A = math.exp %get3A_38 : vector<16x1250xf32>
    %mul3A = arith.mulf %exp3A, %sub3A_45 : vector<16x1250xf32>
    %exp3A_46 = math.exp %get3A_33 : vector<16x1250xf32>
    %mul3A_47 = arith.mulf %exp3A_46, %sub3A : vector<16x1250xf32>
    %mul3A_48 = arith.mulf %get3A_23, %sub3A : vector<16x1250xf32>
    %add3A_49 = arith.addf %mul3A_48, %div3A_40 : vector<16x1250xf32>
    %mul3A_50 = arith.mulf %get3A_28, %sub3A_45 : vector<16x1250xf32>
    %add3A_51 = arith.addf %mul3A_50, %div3A_44 : vector<16x1250xf32>
    %div3A_52 = arith.constant 2.000000e+00 : f32
    %div3A_53 = vector.broadcast %div3A_52 : f32 to vector<16x1250xf32>
    %div3A_54 = arith.divf %mul3A, %div3A_53 : vector<16x1250xf32>
    %sub3A_55 = arith.subf %add3A_51, %div3A_54 : vector<16x1250xf32>
    %max3A = arith.constant 0.000000e+00 : f32
    %max3A_56 = vector.broadcast %max3A : f32 to vector<16x1250xf32>
    %max3A_57 = arith.maximumf %sub3A_55, %max3A_56 : vector<16x1250xf32>
    %div3A_58 = arith.constant 2.000000e+00 : f32
    %div3A_59 = vector.broadcast %div3A_58 : f32 to vector<16x1250xf32>
    %div3A_60 = arith.divf %mul3A_47, %div3A_59 : vector<16x1250xf32>
    %sub3A_61 = arith.subf %add3A_49, %div3A_60 : vector<16x1250xf32>
    %max3A_62 = arith.constant 0.000000e+00 : f32
    %max3A_63 = vector.broadcast %max3A_62 : f32 to vector<16x1250xf32>
    %max3A_64 = arith.maximumf %sub3A_61, %max3A_63 : vector<16x1250xf32>
    %div3A_65 = arith.constant 2.000000e+00 : f32
    %div3A_66 = vector.broadcast %div3A_65 : f32 to vector<16x1250xf32>
    %div3A_67 = arith.divf %mul3A, %div3A_66 : vector<16x1250xf32>
    %add3A_68 = arith.addf %add3A_51, %div3A_67 : vector<16x1250xf32>
    %min3A = arith.constant 5.110000e+02 : f32
    %min3A_69 = vector.broadcast %min3A : f32 to vector<16x1250xf32>
    %min3A_70 = arith.minimumf %add3A_68, %min3A_69 : vector<16x1250xf32>
    %div3A_71 = arith.constant 2.000000e+00 : f32
    %div3A_72 = vector.broadcast %div3A_71 : f32 to vector<16x1250xf32>
    %div3A_73 = arith.divf %mul3A_47, %div3A_72 : vector<16x1250xf32>
    %add3A_74 = arith.addf %add3A_49, %div3A_73 : vector<16x1250xf32>
    %min3A_75 = arith.constant 5.110000e+02 : f32
    %min3A_76 = vector.broadcast %min3A_75 : f32 to vector<16x1250xf32>
    %min3A_77 = arith.minimumf %add3A_74, %min3A_76 : vector<16x1250xf32>
    %swap3A = arith.constant 0 : index
    %swap3A_78 = arith.constant 0 : index
    %swap3A_79 = vector.load %arg4[%swap3A, %swap3A_78] : memref<16x1280xf32, #tpu.memory_space<vmem>>, vector<16x1250xf32>
    tpu.vector_store %arg4[%swap3A, %swap3A_78], %max3A_57 {strides = array<i32>} : memref<16x1280xf32, #tpu.memory_space<vmem>>, vector<16x1250xf32>,
    %swap3A_80 = arith.constant 0 : index
    %swap3A_81 = arith.constant 0 : index
    %swap3A_82 = vector.load %arg5[%swap3A_80, %swap3A_81] : memref<16x1280xf32, #tpu.memory_space<vmem>>, vector<16x1250xf32>
    tpu.vector_store %arg5[%swap3A_80, %swap3A_81], %max3A_64 {strides = array<i32>} : memref<16x1280xf32, #tpu.memory_space<vmem>>, vector<16x1250xf32>,
    %swap3A_83 = arith.constant 0 : index
    %swap3A_84 = arith.constant 0 : index
    %swap3A_85 = vector.load %arg6[%swap3A_83, %swap3A_84] : memref<16x1280xf32, #tpu.memory_space<vmem>>, vector<16x1250xf32>
    tpu.vector_store %arg6[%swap3A_83, %swap3A_84], %min3A_70 {strides = array<i32>} : memref<16x1280xf32, #tpu.memory_space<vmem>>, vector<16x1250xf32>,
    %swap3A_86 = arith.constant 0 : index
    %swap3A_87 = arith.constant 0 : index
    %swap3A_88 = vector.load %arg7[%swap3A_86, %swap3A_87] : memref<16x1280xf32, #tpu.memory_space<vmem>>, vector<16x1250xf32>
    tpu.vector_store %arg7[%swap3A_86, %swap3A_87], %min3A_77 {strides = array<i32>} : memref<16x1280xf32, #tpu.memory_space<vmem>>, vector<16x1250xf32>,
    %sub3A_89 = arith.subf %min3A_70, %max3A_57 : vector<16x1250xf32>
    %max3A_90 = arith.constant 0.000000e+00 : f32
    %max3A_91 = vector.broadcast %max3A_90 : f32 to vector<16x1250xf32>
    %max3A_92 = arith.maximumf %sub3A_89, %max3A_91 : vector<16x1250xf32>
    %sub3A_93 = arith.subf %min3A_77, %max3A_64 : vector<16x1250xf32>
    %max3A_94 = arith.constant 0.000000e+00 : f32
    %max3A_95 = vector.broadcast %max3A_94 : f32 to vector<16x1250xf32>
    %max3A_96 = arith.maximumf %sub3A_93, %max3A_95 : vector<16x1250xf32>
    %mul3A_97 = arith.mulf %max3A_92, %max3A_96 : vector<16x1250xf32>
    %swap3A_98 = arith.constant 0 : index
    %swap3A_99 = arith.constant 0 : index
    %swap3A_100 = vector.load %arg8[%swap3A_98, %swap3A_99] : memref<16x1280xf32, #tpu.memory_space<vmem>>, vector<16x1250xf32>
    tpu.vector_store %arg8[%swap3A_98, %swap3A_99], %mul3A_97 {strides = array<i32>} : memref<16x1280xf32, #tpu.memory_space<vmem>>, vector<16x1250xf32>,
    %get3A_101 = arith.constant 0 : index
    %get3A_102 = arith.constant 0 : index
    %get3A_103 = arith.constant 0 : index
    %get3A_104 = vector.load %arg2[%get3A_101, %get3A_102, %get3A_103] : memref<16x1250x90xf32, #tpu.memory_space<vmem>>, vector<16x1250x90xf32>
    %reduce_max3A = arith.constant dense<0xFF800000> : vector<16x1250xf32>
    %reduce_max3A_105 = vector.multi_reduction <maximumf>, %get3A_104, %reduce_max3A [2] : vector<16x1250x90xf32> to vector<16x1250xf32>
    %iota3A = tpu.iota {dimensions = array<i32: 2>} : vector<16x1250x90xi32>
    %broadcast_in_dim3A = vector.shape_cast %reduce_max3A_105 : vector<16x1250xf32> to vector<16x1250x1xf32>
    %eq3A = vector.broadcast %broadcast_in_dim3A : vector<16x1250x1xf32> to vector<16x1250x90xf32>
    %eq3A_106 = arith.cmpf oeq, %get3A_104, %eq3A : vector<16x1250x90xf32>
    %jit3A = arith.constant 90 : i32
    %broadcast_in_dim3A_107 = vector.broadcast %jit3A : i32 to vector<16x1250x90xi32>
    %select_n3A = arith.select %eq3A_106, %iota3A, %broadcast_in_dim3A_107 : vector<16x1250x90xi1>, vector<16x1250x90xi32>
    %reduce_min3A = arith.constant dense<2147483647> : vector<16x1250xi32>
    %reduce_min3A_108 = vector.multi_reduction <minsi>, %select_n3A, %reduce_min3A [2] : vector<16x1250x90xi32> to vector<16x1250xi32>
    %swap3A_109 = arith.constant 0 : index
    %swap3A_110 = arith.constant 0 : index
    %swap3A_111 = vector.load %arg9[%swap3A_109, %swap3A_110] : memref<16x1280xi32, #tpu.memory_space<vmem>>, vector<16x1250xi32>
    tpu.vector_store %arg9[%swap3A_109, %swap3A_110], %reduce_min3A_108 {strides = array<i32>} : memref<16x1280xi32, #tpu.memory_space<vmem>>, vector<16x1250xi32>,
    %gt3A = arith.constant 5.000000e-01 : f32
    %gt3A_112 = vector.broadcast %gt3A : f32 to vector<16x1250xf32>
    %gt3A_113 = arith.cmpf ogt, %reduce_max3A_105, %gt3A_112 : vector<16x1250xf32>
    %jit3A_114 = arith.constant 0xFF800000 : f32
    %broadcast_in_dim3A_115 = vector.broadcast %jit3A_114 : f32 to vector<16x1250xf32>
    %select_n3A_116 = arith.select %gt3A_113, %reduce_max3A_105, %broadcast_in_dim3A_115 : vector<16x1250xi1>, vector<16x1250xf32>
    %swap3A_117 = arith.constant 0 : index
    %swap3A_118 = arith.constant 0 : index
    %swap3A_119 = vector.load %arg3[%swap3A_117, %swap3A_118] : memref<16x1280xf32, #tpu.memory_space<vmem>>, vector<16x1250xf32>
    tpu.vector_store %arg3[%swap3A_117, %swap3A_118], %select_n3A_116 {strides = array<i32>} : memref<16x1280xf32, #tpu.memory_space<vmem>>, vector<16x1250xf32>,
    %broadcast_in_dim3A_120 = arith.constant 0.000000e+00 : f32
    %broadcast_in_dim3A_121 = vector.broadcast %broadcast_in_dim3A_120 : f32 to vector<16x30xf32>
    %swap3A_122 = arith.constant 0 : index
    %swap3A_123 = arith.constant 1250 : index
    %swap3A_124 = vector.load %arg4[%swap3A_122, %swap3A_123] : memref<16x1280xf32, #tpu.memory_space<vmem>>, vector<16x30xf32>
    tpu.vector_store %arg4[%swap3A_122, %swap3A_123], %broadcast_in_dim3A_121 {strides = array<i32>} : memref<16x1280xf32, #tpu.memory_space<vmem>>, vector<16x30xf32>,
    %swap3A_125 = arith.constant 0 : index
    %swap3A_126 = arith.constant 1250 : index
    %swap3A_127 = vector.load %arg5[%swap3A_125, %swap3A_126] : memref<16x1280xf32, #tpu.memory_space<vmem>>, vector<16x30xf32>
    tpu.vector_store %arg5[%swap3A_125, %swap3A_126], %broadcast_in_dim3A_121 {strides = array<i32>} : memref<16x1280xf32, #tpu.memory_space<vmem>>, vector<16x30xf32>,
    %swap3A_128 = arith.constant 0 : index
    %swap3A_129 = arith.constant 1250 : index
    %swap3A_130 = vector.load %arg6[%swap3A_128, %swap3A_129] : memref<16x1280xf32, #tpu.memory_space<vmem>>, vector<16x30xf32>
    tpu.vector_store %arg6[%swap3A_128, %swap3A_129], %broadcast_in_dim3A_121 {strides = array<i32>} : memref<16x1280xf32, #tpu.memory_space<vmem>>, vector<16x30xf32>,
    %swap3A_131 = arith.constant 0 : index
    %swap3A_132 = arith.constant 1250 : index
    %swap3A_133 = vector.load %arg7[%swap3A_131, %swap3A_132] : memref<16x1280xf32, #tpu.memory_space<vmem>>, vector<16x30xf32>
    tpu.vector_store %arg7[%swap3A_131, %swap3A_132], %broadcast_in_dim3A_121 {strides = array<i32>} : memref<16x1280xf32, #tpu.memory_space<vmem>>, vector<16x30xf32>,
    %swap3A_134 = arith.constant 0 : index
    %swap3A_135 = arith.constant 1250 : index
    %swap3A_136 = vector.load %arg8[%swap3A_134, %swap3A_135] : memref<16x1280xf32, #tpu.memory_space<vmem>>, vector<16x30xf32>
    tpu.vector_store %arg8[%swap3A_134, %swap3A_135], %broadcast_in_dim3A_121 {strides = array<i32>} : memref<16x1280xf32, #tpu.memory_space<vmem>>, vector<16x30xf32>,
    %broadcast_in_dim3A_137 = arith.constant 0 : i32
    %broadcast_in_dim3A_138 = vector.broadcast %broadcast_in_dim3A_137 : i32 to vector<16x30xi32>
    %swap3A_139 = arith.constant 0 : index
    %swap3A_140 = arith.constant 1250 : index
    %swap3A_141 = vector.load %arg9[%swap3A_139, %swap3A_140] : memref<16x1280xi32, #tpu.memory_space<vmem>>, vector<16x30xi32>
    tpu.vector_store %arg9[%swap3A_139, %swap3A_140], %broadcast_in_dim3A_138 {strides = array<i32>} : memref<16x1280xi32, #tpu.memory_space<vmem>>, vector<16x30xi32>,
    %broadcast_in_dim3A_142 = arith.constant 0xFF800000 : f32
    %broadcast_in_dim3A_143 = vector.broadcast %broadcast_in_dim3A_142 : f32 to vector<16x30xf32>
    %swap3A_144 = arith.constant 0 : index
    %swap3A_145 = arith.constant 1250 : index
    %swap3A_146 = vector.load %arg3[%swap3A_144, %swap3A_145] : memref<16x1280xf32, #tpu.memory_space<vmem>>, vector<16x30xf32>
    tpu.vector_store %arg3[%swap3A_144, %swap3A_145], %broadcast_in_dim3A_143 {strides = array<i32>} : memref<16x1280xf32, #tpu.memory_space<vmem>>, vector<16x30xf32>,
    return
  }
}

</mosaic_0001>

<sc_bundles>
// kernel: _run.4.cloned.1.call-start
scs
__scs_entry_jumppad:
0x0: {  	(pc) =	sbr.rel $0x88, $3  }
0x1: {  	(tag) =	ssettag $0x0;
	lr =	simm.s32 $0x1  }
0x2: {  	[smem:$0x3F9E] =	sst lr;
	_ =	strace $0xD0000000  }
0x3: {  	_ = 	snop  }
0x4: {  	_ = 	snop  }
0x5: {  	_ = 	snop  }
0x6: {  	_ = 	snop  }
0x7: {  	_ = 	snop  }
__scs_overlays_trampoline_lowered:
0x8: {  	[smem:$0x3FAD] =	sst s0  }
0x9: {  	[smem:$0x3FAE] =	sst s1  }
0xa: {  	[smem:$0x3FAF] =	sst s2  }
0xb: {  	[smem:$0x3FB0] =	sst s3  }
0xc: {  	[smem:$0x3FB1] =	sst s4  }
0xd: {  	[smem:$0x3FB2] =	sst s5  }
0xe: {  	[smem:$0x3FB3] =	sst s6  }
0xf: {  	[smem:$0x3FB4] =	sst s7  }
0x10: {  	[smem:$0x3FB5] =	sst s8  }
0x11: {  	[smem:$0x3FB6] =	sst s9;
	s0 =	simm.s32 @!p0 $0x0  }
0x12: {  	s1 =	sld [smem:$0x3F9C];
	s0 =	simm.s32 @p0 $0x1  }
0x13: {  	[smem:$0x3FB7] =	sst s0;
	s0 =	simm.s32 @!p1 $0x0  }
0x14: {  	s2 =	sld [smem:$0x3F9B];
	s0 =	simm.s32 @p1 $0x1  }
0x15: {  	[smem:$0x3FB8] =	sst s0;
	s0 =	simm.s32 @!p2 $0x0  }
0x16: {  	s3 =	sld [smem:$0x3FDB];
	s0 =	simm.s32 @p2 $0x1  }
0x17: {  	s4 =	simm.s32 $0x1BF5;
	[smem:$0x3FBA] =	sst s0  }
0x18: {  	s0 =	sld [smem:$0x3F9D];
	_ =	swait.ge [sflag:s4], $0x0  }
0x19: {  	s7 =	sld [smem:$0x3F9E]  }
0x1a: {  	s8 =	sadd.s32 $0xFFFFE003, lr  }
0x1b: {  	s9 =	sadd.s32 $0xFFFFFEF7, lr;
	s5 =	simm.s32 $0xFFFFFFFF;
	p2 =	slt.u32 s8, $0xFFFFF086  }
0x1c: {  	p1 =	slt.u32 s9, $0xF7A;
	s5 =	simm.s32 @!p2 $0x0  }
0x1d: {  	s5 =	simm.s32 @p1 $0x1;
	p0 =	seq.s32 s7, s2  }
0x1e: {  	s7 =	smul.u32 @!p0 $0xF7A, s2;
	p2 =	seq.s32 @!p0 s5, $0x0  }
0x1f: {  	s9 =	smul.u32 $0xF7A, s1;
	s8 =	simm.s32 @!p0 $0x1BF5;
	p2 =	por !p2, p0  }
0x20: {  	[sflag:s8] =	ssyncset.s32 @!p0 $0xFFFFF086;
	s6 =	sadd.s32 @!p0 s3, s7;
	s7 =	simm.s32 @!p0 $0x108  }
0x21: {  	s3 =	sadd.s32 s3, s9;
	s6 =	sadd.s32 @!p0 $0x88, s6;
	s7 =	simm.s32 @p2 $0x1082  }
0x22: {  	[simem:s7], [sflag:s8] =	dma.local @!p0 [hbm:s6], $0xF7A  }
0x23: {  	s9 =	sor.u32 $0xD0000000, s2;
	s6 =	simm.s32 $0x108;
	_ =	swait.ge @!p0 [sflag:s8], $0x0  }
0x24: {  	s3 =	sadd.s32 $0x88, s3;
	s6 =	simm.s32 @!p1 $0x1082;
	[sflag:s4] =	ssyncset.s32 $0xFFFFF086  }
0x25: {  	[simem:s6], [sflag:s4] =	dma.local [hbm:s3], $0xF7A  }
0x26: {  	[smem:$0x3F9E] =	sst s1;
	(tag) =	ssettag s2;
	_ =	strace s9  }
0x27: {  	s1 =	sld [smem:$0x3FAE]  }
0x28: {  	s2 =	sld [smem:$0x3FAF]  }
0x29: {  	s4 =	sld [smem:$0x3FB1]  }
0x2a: {  	p0 =	seq.s32 s5, $0x0;
	s5 =	sld [smem:$0x3FB2]  }
0x2b: {  	s6 =	sld [smem:$0x3FB3]  }
0x2c: {  	s7 =	sld [smem:$0x3FB4]  }
0x2d: {  	s3 =	simm.s32 $0x108;
	s8 =	sld [smem:$0x3FB5]  }
0x2e: {  	s3 =	simm.s32 @!p0 $0x1082;
	s9 =	sld [smem:$0x3FB6]  }
0x2f: {  	lr =	sadd.s32 s0, s3;
	s0 =	sld [smem:$0x3FAD]  }
0x30: {  	s3 =	sld [smem:$0x3FB0]  }
0x31: {  	[smem:$0x3FB9] =	sst s10  }
0x32: {  	s10 =	sld [smem:$0x3FB7];
	_ =	sdelay $0x3  }
0x33: {  	p0 =	seq.s32 s10, $0x1;
	s10 =	sld [smem:$0x3FB9];
	_ =	sdelay $0x3  }
0x34: {  	[smem:$0x3FB9] =	sst s10  }
0x35: {  	s10 =	sld [smem:$0x3FB8];
	_ =	sdelay $0x3  }
0x36: {  	p1 =	seq.s32 s10, $0x1;
	s10 =	sld [smem:$0x3FB9];
	_ =	sdelay $0x3  }
0x37: {  	[smem:$0x3FB9] =	sst s10  }
0x38: {  	s10 =	sld [smem:$0x3FBA]  }
0x39: {  	_ = 	snop;
	(pc) =	sbr.ind lr, $3  }
0x3a: {  	_ = 	snop  }
0x3b: {  	_ = 	snop  }
0x3c: {  	p2 =	seq.s32 s10, $0x1;
	s10 =	sld [smem:$0x3FB9]  }
0x3d: {  	_ =	shalt  }
0x3e: {  	_ =	shalt  }
0x3f: {  	_ =	shalt  }
0x40: {  	_ =	shalt  }
0x41: {  	_ =	shalt  }
0x42: {  	_ =	shalt  }
0x43: {  	_ =	shalt  }
0x44: {  	_ =	shalt  }
0x45: {  	_ =	shalt  }
0x46: {  	_ =	shalt  }
0x47: {  	_ =	shalt  }
0x48: {  	_ =	shalt  }
0x49: {  	_ =	shalt  }
0x4a: {  	_ =	shalt  }
0x4b: {  	_ =	shalt  }
0x4c: {  	_ =	shalt  }
0x4d: {  	_ =	shalt  }
0x4e: {  	_ =	shalt  }
0x4f: {  	_ =	shalt  }
0x50: {  	_ =	shalt  }
0x51: {  	_ =	shalt  }
0x52: {  	_ =	shalt  }
0x53: {  	_ =	shalt  }
0x54: {  	_ =	shalt  }
0x55: {  	_ =	shalt  }
0x56: {  	_ =	shalt  }
0x57: {  	_ =	shalt  }
0x58: {  	_ =	shalt  }
0x59: {  	_ =	shalt  }
0x5a: {  	_ =	shalt  }
0x5b: {  	_ =	shalt  }
0x5c: {  	_ =	shalt  }
0x5d: {  	_ =	shalt  }
0x5e: {  	_ =	shalt  }
0x5f: {  	_ =	shalt  }
0x60: {  	_ =	shalt  }
0x61: {  	_ =	shalt  }
0x62: {  	_ =	shalt  }
0x63: {  	_ =	shalt  }
0x64: {  	_ =	shalt  }
0x65: {  	_ =	shalt  }
0x66: {  	_ =	shalt  }
0x67: {  	_ =	shalt  }
0x68: {  	_ =	shalt  }
0x69: {  	_ =	shalt  }
0x6a: {  	_ =	shalt  }
0x6b: {  	_ =	shalt  }
0x6c: {  	_ =	shalt  }
0x6d: {  	_ =	shalt  }
0x6e: {  	_ =	shalt  }
0x6f: {  	_ =	shalt  }
0x70: {  	_ =	shalt  }
0x71: {  	_ =	shalt  }
0x72: {  	_ =	shalt  }
0x73: {  	_ =	shalt  }
0x74: {  	_ =	shalt  }
0x75: {  	_ =	shalt  }
0x76: {  	_ =	shalt  }
0x77: {  	_ =	shalt  }
0x78: {  	_ =	shalt  }
0x79: {  	_ =	shalt  }
0x7a: {  	_ =	shalt  }
0x7b: {  	_ =	shalt  }
0x7c: {  	_ =	shalt  }
0x7d: {  	_ =	shalt  }
0x7e: {  	_ =	shalt  }
0x7f: {  	_ =	shalt  }
0x80: {  	_ =	shalt  }
0x81: {  	_ =	shalt  }
0x82: {  	_ =	shalt  }
0x83: {  	_ =	shalt  }
0x84: {  	_ =	shalt  }
0x85: {  	_ =	shalt  }
0x86: {  	_ =	shalt  }
0x87: {  	_ =	shalt  }
.Lfunc_end0:
.L_simem_size_0:
called_computation_lowered:
.L_overlay_start_0:
0x88: {  	s0 =	sld [smem:$0x3FD9]  }
0x89: {  	s1 =	sld [smem:$0x3FFE];
	_ =	sdelay $0x3  }
0x8a: {  	s0 =	sadd.s32 s1, s0  }
0x8b: {  	[smem:$0x3FC5] =	sst s0  }
0x8c: {  	_ = 	snop  }
0x8d: {  	s0 =	sld [smem:$0x3FD0];
	_ =	sdelay $0x2  }
0x8e: {  	s13 =	simm.s32 $0xA;
	s2 =	simm.s32 $0x10  }
0x8f: {  	[smem:s2], [sflag:s13] =	dma.local [hbm:s0], $0x1  }
0x90: {  	_ =	swait.eq [sflag:s13], $0x1  }
0x91: {  	s14 =	sld [smem:$0x10]  }
0x92: {  	s15 =	sld [smem:$0x11];
	[sflag:s13] =	ssyncset.done $0x0  }
0x93: {  	s3 =	sld [smem:$0x12];
	[sflag:s13] =	ssyncadd.s32 $0xFFFFFFFF  }
0x94: {  	s16 =	sld [smem:$0x13];
	(tm) =	ssettm $0x1  }
0x95: {  	s4 =	sld [smem:$0x3FFB];
	_ =	sdelay $0x3  }
0x96: {  	_ =	strace s4  }
0x97: {  	s4 =	sld [smem:$0x3FFC];
	_ =	sdelay $0x3  }
0x98: {  	_ =	strace s4  }
0x99: {  	s4 =	sld [smem:$0x3FFD];
	_ =	sdelay $0x3  }
0x9a: {  	_ =	strace s4  }
0x9b: {  	_ =	strace $0x8FFFFFFF  }
0x9c: {  	s17 =	sld [smem:$0x3FDB];
	_ =	sdelay $0x1  }
0x9d: {  	s5 =	simm.s32 $_scs_section_size  }
0x9e: {  	s6 =	simm.s32 $_size__tile_overlayer_lowered;
	s7 =	simm.s32 $_tile_overlayer_lowered  }
0x9f: {  	s20 =	simm.s32 $0x1BFF;
	s19 =	sshll.u32 s7, $0x1;
	s4 =	sadd.s32 s5, s17  }
0xa0: {  	s8 =	simm.s32 $0x0;
	s18 =	sshll.u32 s6, $0x1;
	s6 =	sadd.s32 s19, s4  }
0xa1: {  	[timem:s8], [sflag:s20] =	dma.local [hbm:s6], s18  }
0xa2: {  	_ =	swait.ge [sflag:s20], s18  }
0xa3: {  	s5 =	ssub.s32 $0x0, s18;
	[sflag:s20] =	ssyncset.done $0x0  }
0xa4: {  	[sflag:s20] =	ssyncadd.s32 s5;
	_ =	sdelay $0x1  }
0xa5: {  	s21 =	simm.s32 $0x1B8B  }
0xa6: {  	_ =	swait.ge [sflag:s21], $0x1  }
0xa7: {  	[sflag:s21] =	ssyncset.done $0x0  }
0xa8: {  	s23 =	simm.s32 $0x1B8E;
	s22 =	sld [smem:$0x3FFE];
	[sflag:s21] =	ssyncadd.s32 $0xFFFFFFFF  }
0xa9: {  	s24 =	simm.s32 $execute0_lowered;
	[smem:$0x3FD2] =	sst s23  }
0xaa: {  	s6 =	sshll.u32 s24, $0x1;
	_ =	strace $0x80000046;
	[dreg:$0x1] =	wrdreg $0xFFFFFFFF  }
0xab: {  	s25 =	simm.s32 $_size_execute0_lowered;
	s4 =	sadd.s32 s4, s6;
	[dreg:$0x0] =	wrdreg $0x0  }
0xac: {  	s6 =	sshll.u32 s25, $0x1;
	[dreg:$0x2] =	wrdreg s4  }
0xad: {  	[dreg:$0x3] =	wrdreg s6  }
0xae: {  	[dreg:$0x4] =	wrdreg $0xC0  }
0xaf: {  	_ =	task [dreg:s8], $0x5FFFF  }
0xb0: {  	[dreg:$0x1] =	wrdreg $0xFFFFFFFF  }
0xb1: {  	[dreg:$0x0] =	wrdreg $0x60  }
0xb2: {  	[dreg:$0x2] =	wrdreg s22  }
0xb3: {  	[dreg:$0x3] =	wrdreg s14  }
0xb4: {  	[dreg:$0x4] =	wrdreg s15  }
0xb5: {  	[dreg:$0x5] =	wrdreg s3  }
0xb6: {  	[dreg:$0x6] =	wrdreg s16  }
0xb7: {  	[dreg:$0x7] =	wrdreg $0x28000  }
0xb8: {  	[dreg:$0x8] =	wrdreg $0x9  }
0xb9: {  	_ =	task.clear_ibuf [dreg:s8], $0x9FFFF;
	_ =	strace $0x90000046  }
0xba: {  	s26 =	simm.s32 $0x9;
	_ =	strace $0x80000048  }
0xbb: {  	_ =	swait.ge [sflag:s26], $0x1  }
0xbc: {  	[sflag:s26] =	ssyncadd.s32 $0xFFFFFFFF  }
0xbd: {  	_ =	strace $0x90000048  }
0xbe: {  	_ =	sfence  }
0xbf: {  	s28 =	sld [smem:$0x0];
	_ =	sdelay $0x1  }
0xc0: {  	s29 =	srdreg.scid  }
0xc1: {  	s30 =	sshll.u32 s29, $0xD;
	s31 =	sshrl.u32 s29, $0x2  }
0xc2: {  	s1 =	sand.u32 $0x1, s29;
	s2 =	sand.u32 $0x4000, s30;
	s0 =	sadd.s32 s31, s28  }
0xc3: {  	s1 =	sor.u32 s2, s1;
	s0 =	sshll.u32 s0, $0x11  }
0xc4: {  	s0 =	sor.u32 s0, s1  }
0xc5: {  	s0 =	sadd.s32 $0x8F2B, s0  }
0xc6: {  	[sflag:s0] =	ssyncadd.remote.s32 $0x1  }
0xc7: {  	_ =	sfence.sel $0xFFFF  }
0xc8: {  	[dreg:$0x0] =	wrdreg $0xFFFFFFFF;
	(pc) =	sbr.abs _section_cstart, $3  }
0xc9: {  	[dreg:$0x1] =	wrdreg $0xFFFFFFFF  }
0xca: {  	_ =	task.clear_ibuf [dreg:s8], $0x2FFFF;
	_ =	strace $0x9FFFFFFF  }
0xcb: {  	(tm) =	ssettm $0x7FFFFFFF  }
tec
execute0_lowered:
.L_overlay_start_1:
0x0: {  	(tag) =	ssettag $0x1  }
0x1: {  	s10 =	rddreg [dreg:$0x0]  }
0x2: {  	s4 =	rddreg [dreg:$0x1];
	s15 =	stileid.u32  }
0x3: {  	s3 =	rddreg [dreg:$0x2];
	s0 =	sshrl.u32 s15, $0x3  }
0x4: {  	s2 =	rddreg [dreg:$0x3];
	s20 =	sshll.u32 s15, $0x7;
	s7 =	smul.u32 $0x2800, s0  }
0x5: {  	s1 =	rddreg [dreg:$0x4];
	s8 =	sand.u32 $0x380, s20  }
0x6: {  	s5 =	rddreg [dreg:$0x5];
	s7 =	sor.u32 s8, s7  }
0x7: {  	s6 =	simm.s32 $0x0;
	s12 =	simm.s32 $0x80;
	s7 =	sshrl.u32 s7, $0x3  }
0x8: {  	s13 =	simm.s32 $0x400;
	[smem:$0x7FF] =	sst s6;
	s11 =	sadd.s32 s7, s10  }
0x9: {  	s0 =	rddreg [dreg:$0x6];
	_ =	strace $0x80000047;
	s7 =	sadd.s32 $0x1C00, s11  }
0xa: {  	[tilespmem:s6], [sflag:$0x1] =	stream.strided.gather [hbm4b:s7+s12], $0x500, s13, s12, $0x38;
	[tilespmem:$0x2810] =	vst v63  }
0xb: {  	s7 =	simm.s32 $0x1  }
0xc: {  	_ =	swait.ge [sflag:s7], $0x500  }
0xd: {  	[sflag:s7] =	ssyncset.done $0x0  }
0xe: {  	s9 =	simm.s32 $0x500;
	s21 =	sadd.s32 $0x2600, s11;
	[sflag:s7] =	ssyncadd.s32 $0xFFFFFB00  }
0xf: {  	[tilespmem:s9], [sflag:$0x1] =	stream.strided.gather [hbm4b:s21+s12], $0x500, s13, s12, $0x38;
	[tilespmem:$0x2810] =	vst v63  }
0x10: {  	_ =	swait.ge [sflag:s7], $0x500  }
0x11: {  	[sflag:s7] =	ssyncset.done $0x0  }
0x12: {  	s23 =	simm.s32 $0xA00;
	s22 =	sadd.s32 $0x3000, s11;
	[sflag:s7] =	ssyncadd.s32 $0xFFFFFB00  }
0x13: {  	[tilespmem:s23], [sflag:$0x1] =	stream.strided.gather [hbm4b:s22+s12], $0x500, s13, s12, $0x38;
	[tilespmem:$0x2810] =	vst v63  }
0x14: {  	_ =	swait.ge [sflag:s7], $0x500  }
0x15: {  	[sflag:s7] =	ssyncset.done $0x0  }
0x16: {  	s25 =	simm.s32 $0xF00;
	s24 =	sadd.s32 $0x3A00, s11;
	[sflag:s7] =	ssyncadd.s32 $0xFFFFFB00  }
0x17: {  	[tilespmem:s25], [sflag:$0x1] =	stream.strided.gather [hbm4b:s24+s12], $0x500, s13, s12, $0x38;
	[tilespmem:$0x2810] =	vst v63  }
0x18: {  	_ =	swait.ge [sflag:s7], $0x500  }
0x19: {  	[sflag:s7] =	ssyncset.done $0x0  }
0x1a: {  	s28 =	simm.s32 $0x1400;
	s26 =	sadd.s32 $0x4400, s11;
	[sflag:s7] =	ssyncadd.s32 $0xFFFFFB00  }
0x1b: {  	[tilespmem:s28], [sflag:$0x1] =	stream.strided.gather [hbm4b:s26+s12], $0x500, s13, s12, $0x38;
	[tilespmem:$0x2810] =	vst v63  }
0x1c: {  	_ =	swait.ge [sflag:s7], $0x500  }
0x1d: {  	s30 =	simm.s32 $0x1900;
	s14 =	simm.s32 $0x1E00;
	[sflag:s7] =	ssyncset.done $0x0  }
0x1e: {  	s16 =	simm.s32 $0x0;
	s29 =	sadd.s32 $0x4E00, s11;
	[sflag:s7] =	ssyncadd.s32 $0xFFFFFB00  }
0x1f: {  	[tilespmem:s30], [sflag:$0x1] =	stream.strided.gather [hbm4b:s29+s12], $0x500, s13, s12, $0x38;
	[tilespmem:$0x2810] =	vst v63  }
0x20: {  	s31 =	sshll.u32 s15, $0x4;
	p0 =	sne.s32 s15, $0x0;
	_ =	swait.ge [sflag:s7], $0x500  }
0x21: {  	s8 =	sadd.s32 $0x6400, s10;
	s11 =	sadd.s32 $0x5800, s11;
	[sflag:s7] =	ssyncset.done $0x0  }
.Ltmp0:
0x22: {  	v0 =	vlaneseq.u32;
	vm1 =	vcmask $0x3F18;
	vm2 =	vcmask $0x3F14;
	s9 =	sadd.s32 $0x6200, s10;
	[sflag:s7] =	ssyncadd.s32 $0xFFFFFB00;
	(pc) =	sbr.rel .LBB2_1-.Ltmp0, $4  }
0x23: {  	vm3 =	vcmask $0x3F10;
	vm4 =	vcmask $0x3F0C;
	vm5 =	vcmask $0x3F08;
	[tilespmem:s14], [sflag:$0x1] =	stream.strided.gather [hbm4b:s11+s12], $0x500, s13, s12, $0x38;
	[tilespmem:$0x2810] =	vst v63  }
0x24: {  	vm6 =	vcmask $0x3F04;
	vm7 =	vmmov $0x1;
	vm8 =	vcmask $0x308;
	s10 =	sadd.s32 $0x6600, s10;
	s11 =	smul.u32 $0x4E2, s15;
	_ =	swait.ge [sflag:s7], $0x500  }
0x25: {  	vm9 =	vcmask $0x70C;
	vm10 =	vcmask $0xB10;
	vm11 =	vcmask $0xF14;
	s12 =	sadd.s32 s31, s5;
	s13 =	simm.s32 $0x2300;
	[sflag:s7] =	ssyncset.done $0x0  }
0x26: {  	vm12 =	vcmask $0x1318;
	vm13 =	vcmask $0x171C;
	v1 =	vor.u32 $0x80000000, v0;
	s14 =	simm.s32 $0x2380;
	s15 =	simm.s32 $0x0;
	[sflag:s7] =	ssyncadd.s32 $0xFFFFFB00  }
.LBB2_8:
0x27: {  	vm0 =	vcmask $0x1B20  }
0x28: {  	v3 =	vsel vm0, $0xFF800000, v3  }
0x29: {  	(xrf0) =	vmax.scan.msk.f32 $0xffff, v3;
	_ =	sdelay $0x1  }
0x2a: {  	s18 =	sand.u32 $0x70, s16  }
0x2b: {  	v3 =	vld [tilespmem:s18+$0x2480]  }
0x2c: {  	v8 =	vld [tilespmem:s18+$0x2500]  }
0x2d: {  	s19 =	sand.u32 $0xF, s16;
	v9 =	vld [tilespmem:s18+$0x2580]  }
0x2e: {  	v11 =	vmov s19;
	v12 =	vld [tilespmem:s18+$0x2600];
	v10, _, _ =	vpop (xrf0)  }
0x2f: {  	v6 =	vnsel vm15, $0x0, v6;
	p1 =	sgt.f32 s17, $-Inf;
	v61 =	vld [tilespmem:s18+$0x2680];
	vm0 =	veq.s32 v11, v0;
	v10 =	vtrunc.f32 v10  }
0x30: {  	v5 =	vnsel vm15, $0x0, v5;
	s17 =	simm.s32 $0x1;
	s16 =	sadd.s32 $0x1, s16;
	v62 =	vld [tilespmem:s18+$0x2700];
	v3 =	vsel vm0, v6, v3;
	v10 =	vcvt.f32.s32 v10  }
0x31: {  	v4 =	vnsel vm15, $0x0, v4;
	s17 =	simm.s32 @!p1 $0x0;
	p1 =	seq.s32 s16, $0x64;
	[tilespmem:s18+$0x2480] =	vst v3;
	v3 =	vsel vm0, v5, v8  }
.Ltmp1:
0x32: {  	v2 =	vnsel vm15, $0x0, v2;
	[tilespmem:s18+$0x2500] =	vst v3;
	v3 =	vsel vm0, v4, v9;
	v63 =	vbroadcast v10, $0xF;
	(pc) =	sbr.rel @p1 .LBB2_9-.Ltmp1, $4  }
0x33: {  	v2 =	vsel vm0, v2, v12;
	[tilespmem:s18+$0x2580] =	vst v3;
	v3 =	vnsel vm15, $0x0, v7  }
0x34: {  	[tilespmem:s18+$0x2600] =	vst v2;
	v2 =	vsel vm0, v3, v61;
	v3 =	vnsel vm15, $0x0, v63  }
0x35: {  	[tilespmem:s18+$0x2680] =	vst v2;
	v2 =	vsel vm0, v3, v62  }
0x36: {  	s15 =	sadd.s32 s17, s15;
	[tilespmem:s18+$0x2700] =	vst v2  }
.LBB2_1:
0x37: {  	v3 =	vld [tilespmem:s6+$0x0];
	_ =	sdelay $0x3  }
0x38: {  	v4 =	vimm.f32 $-Inf  }
0x39: {  	v2 =	vimm.s32 $0x0;
	s18 =	simm.s32 $0x1;
	s19 =	simm.s32 $0x10;
	s17 =	simm.s32 $0x0;
	vm14 =	vgt.f32 v3, v4  }
.LBB2_2:
0x3a: {  	p1 =	sne.s32 s18, $0x4F;
	v4 =	vsel vm14, v3, v4;
	v3 =	vld [tilespmem:s19+$0x0];
	v2 =	vsel vm14, s17, v2;
	s17 =	smov.u32 s18;
	s18 =	sadd.s32 $0x1, s18  }
.Ltmp2:
0x3b: {  	(pc) =	sbr.rel @p1 .LBB2_2-.Ltmp2, $2  }
0x3c: {  	_ =	sdelay $0x2  }
0x3d: {  	s19 =	sadd.s32 $0x10, s19;
	vm14 =	vgt.f32 v3, v4  }
0x3e: {  	v3 =	vsel vm14, v3, v4  }
0x3f: {  	(xrf0) =	vmax.scan.msk.f32 $0xffff, v3;
	_ =	sdelay $0x5  }
0x40: {  	v4, _, _ =	vpop (xrf0)  }
0x41: {  	v2 =	vsel vm14, s17, v2;
	v4 =	vbroadcast v4, $0xF  }
0x42: {  	v2 =	vshll.u32 v2, $0x4  }
0x43: {  	v2 =	vxor.u32 v1, v2;
	vm0 =	veq.f32 v3, v4  }
0x44: {  	v2 =	vnsel vm0, $0x80000500, v2  }
0x45: {  	(xrf0) =	vmin.scan.msk.u32 $0xffff, v2;
	_ =	sdelay $0x5  }
0x46: {  	v2, _, _ =	vpop (xrf0)  }
0x47: {  	(v2sf) =	vpush v2, $0xF;
	_ =	sdelay $0xe  }
0x48: {  	s22 =	spop (v2sf)  }
0x49: {  	s18 =	sxor.u32 $0x80000000, s22  }
0x4a: {  	p2 =	sgt.s32 s22, $0xFFFFFFFF;
	s17 =	sand.u32 $0xF, s22;
	p1 =	slt.s32 s18, $0x1  }
0x4b: {  	s19 =	sshra.s32 s18, $0x1F;
	p6 =	sne.s32 s17, $0x0;
	p1 =	por p2, p1  }
0x4c: {  	s23 =	sshrl.u32 s19, $0x1C;
	p1 =	por !p6, !p1  }
0x4d: {  	s19 =	simm.s32 $0x1;
	s17 =	sadd.s32 s23, s18;
	p1 =	por !p1, !p1  }
0x4e: {  	s17 =	sshrl.u32 s17, $0x4;
	s19 =	simm.s32 @!p1 $0x0  }
0x4f: {  	s17 =	ssub.s32 s17, s19  }
0x50: {  	s17 =	sshll.u32 s17, $0x4  }
0x51: {  	v2 =	vld [tilespmem:s17+$0x500]  }
0x52: {  	v3 =	vld [tilespmem:s17+$0xA00]  }
0x53: {  	v5 =	vld [tilespmem:s17+$0xF00]  }
0x54: {  	s24 =	ssub.s32 s18, s17;
	v6 =	vld [tilespmem:s17+$0x1400]  }
0x55: {  	v8 =	vld [tilespmem:s17+$0x1E00];
	v7 =	vmov s24  }
0x56: {  	vm0 =	veq.s32 v7, v0;
	v7 =	vld [tilespmem:s17+$0x1900]  }
0x57: {  	v2 =	vnsel vm0, $0xFF800000, v2  }
0x58: {  	(xrf0) =	vmax.scan.msk.f32 $0xffff, v2;
	v2 =	vnsel vm0, $0xFF800000, v3  }
0x59: {  	(xrf0) =	vmax.scan.msk.f32 $0xffff, v2;
	v2 =	vnsel vm0, $0xFF800000, v5  }
0x5a: {  	v3 =	vcvt.s32.f32 v8;
	(xrf0) =	vmax.scan.msk.f32 $0xffff, v2;
	v2 =	vnsel vm0, $0xFF800000, v6  }
0x5b: {  	(xrf0) =	vmax.scan.msk.f32 $0xffff, v2;
	v2 =	vnsel vm0, $0xFF800000, v7  }
0x5c: {  	(xrf0) =	vmax.scan.msk.f32 $0xffff, v2;
	v2 =	vnsel vm0, $0xFF800000, v3;
	_ =	sdelay $0x1  }
0x5d: {  	(xrf0) =	vmax.scan.msk.f32 $0xffff, v2  }
0x5e: {  	v2, _, _ =	vpop (xrf0)  }
0x5f: {  	v3, _, _ =	vpop (xrf0)  }
0x60: {  	v5, _, _ =	vpop (xrf0)  }
0x61: {  	v6, _, _ =	vpop (xrf0)  }
0x62: {  	v7, _, _ =	vpop (xrf0)  }
0x63: {  	v8, _, _ =	vpop (xrf0)  }
0x64: {  	v7 =	vbroadcast v7, $0xF;
	v8 =	vbroadcast v8, $0xF  }
0x65: {  	vm0 =	vcmask $0x3F1C;
	v6 =	vbroadcast v6, $0xF  }
0x66: {  	v5 =	vbroadcast v5, $0xF;
	v7 =	vsel vm0, v8, v7  }
0x67: {  	s25 =	sadd.s32 s11, s18;
	v3 =	vbroadcast v3, $0xF;
	v6 =	vsel vm1, v7, v6  }
0x68: {  	v2 =	vbroadcast v2, $0xF;
	v7 =	vmov s25;
	v5 =	vsel vm2, v6, v5  }
0x69: {  	v6 =	vcvt.s32.f32 v7;
	v3 =	vsel vm3, v5, v3  }
0x6a: {  	v2 =	vsel vm4, v3, v2  }
0x6b: {  	v2 =	vsel vm5, v2, v6  }
0x6c: {  	v2 =	vsel vm6, v2, v4  }
0x6d: {  	[tilespmem:$0x2300] =	vst v2  }
0x6e: {  	[spmem:s12] =	stream.linear.scatter [tilespmem:s13], [sflag:$0x1], $0x10, $0x38;
	[tilespmem:$0x2810] =	vst v63  }
0x6f: {  	_ =	swait.ge [sflag:s7], $0x10  }
0x70: {  	[sflag:s7] =	ssyncset.done $0x0  }
0x71: {  	[sflag:s7] =	ssyncadd.s32 $0xFFFFFFF0  }
0x72: {  	[bflag:$0x0] =	sbarrier.arrive $0xFFFF  }
0x73: {  	[tilespmem:s14], [sflag:$0x1] =	stream.linear.gather [spmem:s5], $0x100, $0x38;
	[tilespmem:$0x2810] =	vst v63  }
0x74: {  	_ =	swait.ge [sflag:s7], $0x100  }
0x75: {  	[sflag:s7] =	ssyncset.done $0x0  }
0x76: {  	[sflag:s7] =	ssyncadd.s32 $0xFFFFFF00  }
0x77: {  	s26 =	simm.s32 $0x0;
	[bflag:$0x0] =	sbarrier.arrive $0xFFFF  }
0x78: {  	v2 =	vld [tilespmem:s26+$0x2380];
	_ =	sdelay $0x4  }
0x79: {  	v3 =	vnsel vm7, $0xFF800000, v2  }
0x7a: {  	(xrf0) =	vmax.scan.msk.f32 $0xffff, v3;
	_ =	sdelay $0x4  }
0x7b: {  	s28 =	simm.s32 $0x10  }
0x7c: {  	s29 =	simm.s32 $0x20;
	v3 =	vld [tilespmem:s28+$0x2380];
	v4, _, _ =	vpop (xrf0)  }
0x7d: {  	(v2sf) =	vpush v4, $0xF;
	v4 =	vld [tilespmem:s29+$0x2380]  }
0x7e: {  	v5 =	vsel vm8, $0xFF800000, v2  }
0x7f: {  	(xrf0) =	vmax.scan.msk.f32 $0xffff, v5;
	_ =	sdelay $0x1  }
0x80: {  	v5 =	vnsel vm7, $0xFF800000, v3  }
0x81: {  	(xrf0) =	vmax.scan.msk.f32 $0xffff, v5;
	v5 =	vsel vm8, $0xFF800000, v3;
	v6 =	vsel vm8, $0xFF800000, v4  }
0x82: {  	(xrf0) =	vmax.scan.msk.f32 $0xffff, v5;
	v5 =	vnsel vm7, $0xFF800000, v4  }
0x83: {  	(xrf0) =	vmax.scan.msk.f32 $0xffff, v5  }
0x84: {  	(xrf0) =	vmax.scan.msk.f32 $0xffff, v6;
	v6, _, _ =	vpop (xrf0)  }
0x85: {  	(v2sf) =	vpush v6, $0xF;
	_ =	sdelay $0x1  }
0x86: {  	v7, _, _ =	vpop (xrf0)  }
0x87: {  	v6, _, _ =	vpop (xrf0);
	(v2sf) =	vpush v7, $0xF  }
0x88: {  	(v2sf) =	vpush v6, $0xF;
	v7, _, _ =	vpop (xrf0)  }
0x89: {  	s30 =	simm.s32 $0x30;
	(v2sf) =	vpush v7, $0xF;
	v9, _, _ =	vpop (xrf0)  }
0x8a: {  	v5 =	vld [tilespmem:s30+$0x2380];
	s20 =	spop (v2sf);
	(v2sf) =	vpush v9, $0xF;
	_ =	sdelay $0x4  }
0x8b: {  	v6 =	vnsel vm7, $0xFF800000, v5  }
0x8c: {  	s31 =	simm.s32 $0x40;
	(xrf0) =	vmax.scan.msk.f32 $0xffff, v6  }
0x8d: {  	v8 =	vsel vm8, $0xFF800000, v5;
	v6 =	vld [tilespmem:s31+$0x2380]  }
0x8e: {  	s19 =	simm.s32 $0x140;
	s18 =	simm.f32 $3.000000000e+09;
	s17 =	simm.f32 $-Inf;
	v7 =	vimm.f32 $0.0e+00;
	(xrf0) =	vmax.scan.msk.f32 $0xffff, v8  }
.LBB2_4:
0x8f: {  	p1 =	sne.s32 s19, $0x3C0;
	s21 =	spop (v2sf);
	v8 =	vmov v4;
	v4 =	vmov v5;
	s22 =	smov.u32 s20  }
0x90: {  	p2 =	seq.f32 s22, s17;
	p3 =	slt.f32 s21, s18  }
.Ltmp3:
0x91: {  	(pc) =	sbr.rel @p1 .LBB2_4-.Ltmp3, $4  }
0x92: {  	p4 =	sgt.f32 s22, s17;
	v9 =	vnsel vm7, $0xFF800000, v6;
	v10, _, _ =	vpop (xrf0);
	p2 =	por !p2, !p3;
	v5 =	vmov v6  }
0x93: {  	s20 =	sshra.s32 s19, $0x2;
	(xrf0) =	vmax.scan.msk.f32 $0xffff, v9;
	(v2sf) =	vpush v10, $0xF;
	p2 =	por !p2, !p2  }
0x94: {  	v9 =	vsel vm8, $0xFF800000, v5;
	v6 =	vld [tilespmem:s20+$0x2380];
	v10, _, _ =	vpop (xrf0);
	s20 =	spop (v2sf);
	p2 =	por p4, p2  }
0x95: {  	s19 =	sadd.s32 $0x40, s19;
	(xrf0) =	vmax.scan.msk.f32 $0xffff, v9;
	(v2sf) =	vpush v10, $0xF;
	s17 =	smov.u32 @p2 s22;
	s18 =	smov.u32 @p2 s21;
	v7 =	vpsel p2, v2, v7;
	v2 =	vmovc v3;
	v3 =	vmov v8  }
0x96: {  	_ =	sdelay $0x2  }
0x97: {  	s19 =	spop (v2sf);
	v8 =	vnsel vm7, $0xFF800000, v6  }
0x98: {  	p1 =	seq.f32 s20, s17;
	p2 =	slt.f32 s19, s18;
	v9, _, _ =	vpop (xrf0);
	(xrf0) =	vmax.scan.msk.f32 $0xffff, v8;
	v8 =	vsel vm8, $0xFF800000, v6  }
0x99: {  	(v2sf) =	vpush v9, $0xF;
	v9, _, _ =	vpop (xrf0);
	(xrf0) =	vmax.scan.msk.f32 $0xffff, v8  }
0x9a: {  	p3 =	sgt.f32 s20, s17;
	s21 =	spop (v2sf);
	p1 =	por !p1, !p2;
	(v2sf) =	vpush v9, $0xF  }
0x9b: {  	p1 =	por !p1, !p1  }
0x9c: {  	p1 =	por p3, p1  }
0x9d: {  	s17 =	smov.u32 @p1 s20;
	s18 =	smov.u32 @p1 s19;
	s19 =	spop (v2sf)  }
0x9e: {  	p5 =	seq.f32 s21, s17;
	p6 =	slt.f32 s19, s18;
	v8, _, _ =	vpop (xrf0)  }
0x9f: {  	(v2sf) =	vpush v8, $0xF;
	v8, _, _ =	vpop (xrf0)  }
0xa0: {  	p4 =	sgt.f32 s21, s17;
	p2 =	por !p5, !p6;
	s20 =	spop (v2sf);
	(v2sf) =	vpush v8, $0xF  }
0xa1: {  	p2 =	por !p2, !p2  }
0xa2: {  	p2 =	por p4, p2  }
0xa3: {  	s17 =	smov.u32 @p2 s21;
	s18 =	smov.u32 @p2 s19;
	s19 =	spop (v2sf)  }
0xa4: {  	p4 =	seq.f32 s20, s17;
	p6 =	slt.f32 s19, s18  }
0xa5: {  	_ = 	snop  }
0xa6: {  	p5 =	sgt.f32 s20, s17;
	p3 =	por !p4, !p6  }
0xa7: {  	p3 =	por !p3, !p3  }
0xa8: {  	p3 =	por p5, p3;
	s21 =	spop (v2sf)  }
0xa9: {  	s17 =	smov.u32 @p3 s20;
	s18 =	smov.u32 @p3 s19;
	s19 =	spop (v2sf)  }
0xaa: {  	p4 =	seq.f32 s21, s17;
	p5 =	slt.f32 s19, s18  }
0xab: {  	_ = 	snop  }
0xac: {  	p6 =	sgt.f32 s21, s17;
	p4 =	por !p4, !p5  }
0xad: {  	p4 =	por !p4, !p4  }
0xae: {  	p4 =	por p6, p4;
	s22 =	spop (v2sf)  }
0xaf: {  	s17 =	smov.u32 @p4 s21;
	s18 =	smov.u32 @p4 s19;
	s23 =	spop (v2sf)  }
0xb0: {  	p5 =	seq.f32 s22, s17;
	p6 =	slt.f32 s23, s18  }
0xb1: {  	v2 =	vpsel p1, v2, v7  }
0xb2: {  	v2 =	vpsel p2, v3, v2;
	p5 =	por !p5, !p6;
	p6 =	sgt.f32 s22, s17  }
0xb3: {  	v2 =	vpsel p3, v4, v2;
	p1 =	por !p5, !p5  }
0xb4: {  	v2 =	vpsel p4, v5, v2;
	p1 =	por p6, p1  }
0xb5: {  	v3 =	vpsel p1, v6, v2  }
0xb6: {  	v2 =	vsel vm9, $0xFF800000, v3  }
0xb7: {  	(xrf0) =	vmax.scan.msk.f32 $0xffff, v2;
	v2 =	vsel vm10, $0xFF800000, v3  }
0xb8: {  	(xrf0) =	vmax.scan.msk.f32 $0xffff, v2;
	v2 =	vsel vm11, $0xFF800000, v3  }
0xb9: {  	(xrf0) =	vmax.scan.msk.f32 $0xffff, v2;
	v2 =	vsel vm12, $0xFF800000, v3  }
0xba: {  	s21 =	simm.s32 $0x0;
	(xrf0) =	vmax.scan.msk.f32 $0xffff, v2  }
0xbb: {  	v7 =	vld [tilespmem:s21+$0x500]  }
0xbc: {  	v8 =	vld [tilespmem:s21+$0xA00];
	v4 =	vsel vm13, $0xFF800000, v3  }
0xbd: {  	v9 =	vld [tilespmem:s21+$0xF00];
	v2, _, _ =	vpop (xrf0)  }
0xbe: {  	v10 =	vld [tilespmem:s21+$0x1400];
	(xrf0) =	vmax.scan.msk.f32 $0xffff, v4;
	v5, _, _ =	vpop (xrf0)  }
0xbf: {  	v4, _, _ =	vpop (xrf0)  }
0xc0: {  	v6 =	vbroadcast v2, $0xF;
	v5 =	vbroadcast v5, $0xF;
	v2, _, _ =	vpop (xrf0)  }
0xc1: {  	s19 =	simm.s32 $0x10;
	v11 =	vld [tilespmem:s21+$0x1900];
	v4 =	vbroadcast v4, $0xF;
	v2 =	vbroadcast v2, $0xF  }
0xc2: {  	v12 =	vld [tilespmem:s19+$0x500];
	v7 =	vmax.f32 v7, v6  }
0xc3: {  	v14 =	vld [tilespmem:s19+$0xA00];
	v8 =	vmax.f32 v8, v5;
	v9 =	vmin.f32 v9, v4;
	v10 =	vmin.f32 v10, v2  }
0xc4: {  	v13, _, _ =	vpop (xrf0);
	v7 =	vsub.f32 v9, v7;
	v8 =	vsub.f32 v10, v8;
	v10 =	vld [tilespmem:s19+$0xF00]  }
0xc5: {  	v9 =	vbroadcast v13, $0xF;
	v13 =	vld [tilespmem:s19+$0x1400]  }
0xc6: {  	v7 =	vmax.f32 v7, $0.0e+00;
	v8 =	vmax.f32 v8, $0.0e+00  }
0xc7: {  	s20 =	simm.s32 $0x20;
	v16 =	vmul.f32 v8, v7;
	v7 =	vadd.f32 v11, v9  }
0xc8: {  	v15 =	vld [tilespmem:s20+$0x500]  }
0xc9: {  	v11 =	vld [tilespmem:s19+$0x1900];
	v8 =	vmax.f32 v12, v6;
	v7 =	vsub.f32 v7, v16;
	v10 =	vmin.f32 v10, v4  }
0xca: {  	v17 =	vld [tilespmem:s20+$0xF00];
	v14 =	vmax.f32 v14, v5;
	v13 =	vmin.f32 v13, v2;
	v8 =	vsub.f32 v10, v8  }
0xcb: {  	v12 =	vld [tilespmem:s20+$0xA00];
	v10 =	vsub.f32 v13, v14;
	v7 =	vadd.f32 $9.999999930e-09, v7  }
0xcc: {  	v13 =	vld [tilespmem:s20+$0x1400]  }
0xcd: {  	v14 =	vmax.f32 v8, $0.0e+00;
	v10 =	vmax.f32 v10, $0.0e+00;
	(erf) = vrcp.f32 v7  }
0xce: {  	s18 =	smov.u32 @p1 s23;
	v11 =	vadd.f32 v11, v9;
	v10 =	vmul.f32 v10, v14  }
0xcf: {  	v18 =	vld [tilespmem:s20+$0x1900];
	v15 =	vmax.f32 v15, v6;
	v17 =	vmin.f32 v17, v4;
	v8 =	vmov s18;
	s18 =	simm.s32 $0x30  }
0xd0: {  	s23 =	sadd.s32 $0x10, s11;
	v15 =	vsub.f32 v17, v15;
	v14 =	vld [tilespmem:s18+$0x500];
	v11 =	vsub.f32 v11, v10  }
0xd1: {  	s17 =	smov.u32 @p1 s22;
	v17 =	vadd.s32 s23, v0;
	v12 =	vmax.f32 v12, v5;
	v20 =	vld [tilespmem:s18+$0xF00];
	v13 =	vmin.f32 v13, v2  }
0xd2: {  	v7 =	vmov s17;
	v19 =	vld [tilespmem:s18+$0xA00];
	v12 =	vsub.f32 v13, v12;
	v11 =	vadd.f32 $9.999999930e-09, v11  }
0xd3: {  	v15 =	vmax.f32 v15, $0.0e+00;
	v21 =	vld [tilespmem:s18+$0x1400];
	vm0 =	vlt.f32 v7, $-Inf;
	v13 =	vadd.s32 s11, v0  }
0xd4: {  	v22 =	vcvt.s32.f32 v13;
	v13 =	vmax.f32 v12, $0.0e+00;
	(erf) = vrcp.f32 v11  }
0xd5: {  	s22 =	simm.s32 $0x40;
	vm14 =	vgt.f32 v7, $-Inf;
	v12 =	vld [tilespmem:s18+$0x1900];
	v11 =	vmul.f32 v13, v15;
	v15 =	vadd.f32 v18, v9  }
0xd6: {  	vm15 =	vmor vm14, vm0;
	v20 =	vmin.f32 v20, v4;
	v13 =	vld [tilespmem:s22+$0x500];
	v18 =	vmax.f32 v14, v6;
	v14 =	vpop (erf)  }
0xd7: {  	vm14 =	veq.f32 v8, v22;
	v22 =	vsub.f32 v15, v11;
	v15 =	vld [tilespmem:s21+$0x0];
	v23 =	vmul.f32 v14, v16  }
0xd8: {  	v19 =	vmax.f32 v19, v5;
	v21 =	vmin.f32 v21, v2;
	v18 =	vsub.f32 v20, v18;
	v14 =	vld [tilespmem:s22+$0xA00]  }
0xd9: {  	s24 =	simm.s32 $0x140;
	v19 =	vsub.f32 v21, v19;
	v16 =	vld [tilespmem:s22+$0xF00];
	v20 =	vadd.f32 $9.999999930e-09, v22;
	vm0 =	vgt.f32 v23, $5.000000000e-01  }
.LBB2_6:
0xda: {  	p1 =	sne.s32 s24, $0x13C0;
	v21 =	vld [tilespmem:s22+$0x1400];
	v18 =	vmax.f32 v18, $0.0e+00;
	v23 =	vcvt.s32.f32 v17;
	vm0 =	vmor vm14, vm0  }
0xdb: {  	v17 =	vmax.f32 v19, $0.0e+00;
	(erf) = vrcp.f32 v20;
	vm0 =	vmand vm15, vm0  }
.Ltmp4:
0xdc: {  	s25 =	sshra.s32 s24, $0x2;
	s23 =	sadd.s32 $0x10, s23;
	v19 =	vmul.f32 v17, v18;
	v18 =	vadd.f32 v12, v9;
	v12 =	vld [tilespmem:s22+$0x1900];
	v15 =	vsel vm0, $0xFF800000, v15;
	(pc) =	sbr.rel @p1 .LBB2_6-.Ltmp4, $4  }
0xdd: {  	v20 =	vmax.f32 v13, v6;
	v17 =	vadd.s32 s23, v0;
	vm14 =	veq.f32 v8, v23;
	v13 =	vld [tilespmem:s25+$0x500];
	v22 =	vpop (erf);
	[tilespmem:s21+$0x0] =	vst v15;
	s21 =	smov.u32 s19;
	s19 =	smov.u32 s20;
	s20 =	smov.u32 s18  }
0xde: {  	s18 =	smov.u32 s22;
	s22 =	smov.u32 s25;
	v16 =	vmin.f32 v16, v4;
	v23 =	vsub.f32 v18, v19;
	v15 =	vld [tilespmem:s21+$0x0];
	v22 =	vmul.f32 v22, v10;
	v10 =	vmovc v11  }
0xdf: {  	v24 =	vmax.f32 v14, v5;
	v11 =	vmovc v19;
	v14 =	vld [tilespmem:s22+$0xA00];
	v21 =	vmin.f32 v21, v2;
	v18 =	vsub.f32 v16, v20  }
0xe0: {  	s24 =	sadd.s32 $0x40, s24;
	v16 =	vld [tilespmem:s22+$0xF00];
	v19 =	vsub.f32 v21, v24;
	v20 =	vadd.f32 $9.999999930e-09, v23;
	vm0 =	vgt.f32 v22, $5.000000000e-01  }
0xe1: {  	v21 =	vld [tilespmem:s22+$0x1400];
	v18 =	vmax.f32 v18, $0.0e+00;
	v17 =	vcvt.s32.f32 v17;
	vm0 =	vmor vm14, vm0  }
0xe2: {  	v19 =	vmax.f32 v19, $0.0e+00;
	(erf) = vrcp.f32 v20;
	vm0 =	vmand vm15, vm0  }
0xe3: {  	v12 =	vadd.f32 v12, v9;
	v18 =	vmul.f32 v19, v18;
	v15 =	vsel vm0, $0xFF800000, v15  }
0xe4: {  	v41 =	vld [tilespmem:s22+$0x1900];
	v13 =	vmax.f32 v13, v6;
	vm0 =	veq.f32 v8, v17;
	v42 =	vpop (erf);
	[tilespmem:s21+$0x0] =	vst v15  }
0xe5: {  	v43 =	vmin.f32 v16, v4;
	v12 =	vsub.f32 v12, v18;
	v44 =	vld [tilespmem:s19+$0x0];
	v10 =	vmul.f32 v42, v10  }
0xe6: {  	v14 =	vmax.f32 v14, v5;
	v45 =	vmin.f32 v21, v2;
	v13 =	vsub.f32 v43, v13  }
0xe7: {  	v14 =	vsub.f32 v45, v14;
	v12 =	vadd.f32 $9.999999930e-09, v12;
	vm14 =	vgt.f32 v10, $5.000000000e-01  }
0xe8: {  	v46 =	vmax.f32 v13, $0.0e+00;
	vm0 =	vmor vm0, vm14  }
0xe9: {  	v47 =	vmax.f32 v14, $0.0e+00;
	(erf) = vrcp.f32 v12;
	vm0 =	vmand vm15, vm0  }
0xea: {  	s30 =	sadd.s32 $0x10, s23;
	v48 =	vadd.f32 v41, v9;
	v10 =	vmul.f32 v47, v46;
	v49 =	vsel vm0, $0xFF800000, v44  }
0xeb: {  	v50 =	vadd.s32 s30, v0;
	v51 =	vpop (erf);
	[tilespmem:s19+$0x0] =	vst v49  }
0xec: {  	v52 =	vcvt.s32.f32 v50;
	v9 =	vsub.f32 v48, v10;
	v53 =	vld [tilespmem:s20+$0x0];
	v11 =	vmul.f32 v51, v11;
	_ =	sdelay $0x1  }
0xed: {  	vm0 =	veq.f32 v8, v52;
	v9 =	vadd.f32 $9.999999930e-09, v9;
	vm14 =	vgt.f32 v11, $5.000000000e-01  }
0xee: {  	vm0 =	vmor vm0, vm14  }
0xef: {  	(erf) = vrcp.f32 v9;
	vm0 =	vmand vm15, vm0  }
0xf0: {  	s31 =	sadd.s32 $0x10, s30;
	v54 =	vsel vm0, $0xFF800000, v53  }
0xf1: {  	v55 =	vadd.s32 s31, v0;
	v56 =	vpop (erf);
	[tilespmem:s20+$0x0] =	vst v54  }
0xf2: {  	v57 =	vcvt.s32.f32 v55;
	v58 =	vld [tilespmem:s18+$0x0];
	v12 =	vmul.f32 v56, v18;
	_ =	sdelay $0x1  }
0xf3: {  	vm0 =	veq.f32 v8, v57;
	vm14 =	vgt.f32 v12, $5.000000000e-01  }
0xf4: {  	vm0 =	vmor vm0, vm14  }
0xf5: {  	vm0 =	vmand vm15, vm0  }
0xf6: {  	s19 =	sadd.s32 $0x10, s31;
	v59 =	vsel vm0, $0xFF800000, v58  }
0xf7: {  	v60 =	vadd.s32 s19, v0;
	v61 =	vpop (erf);
	[tilespmem:s18+$0x0] =	vst v59  }
0xf8: {  	v62 =	vcvt.s32.f32 v60;
	v63 =	vld [tilespmem:s22+$0x0];
	v10 =	vmul.f32 v61, v10;
	_ =	sdelay $0x1  }
.Ltmp5:
0xf9: {  	vm0 =	veq.f32 v8, v62;
	vm14 =	vgt.f32 v10, $5.000000000e-01;
	(pc) =	sbr.rel @!p0 .LBB2_8-.Ltmp5, $4  }
0xfa: {  	vm0 =	vmor vm0, vm14  }
0xfb: {  	vm0 =	vmand vm15, vm0  }
0xfc: {  	v8 =	vsel vm0, $0xFF800000, v63  }
0xfd: {  	[tilespmem:s22+$0x0] =	vst v8  }
0xfe: {  	p1 =	sgt.f32 s17, $-Inf  }
0xff: {  	s17 =	simm.s32 $0x1;
	s16 =	sadd.s32 $0x1, s16  }
0x100: {  	s17 =	simm.s32 @!p1 $0x0;
	p1 =	seq.s32 s16, $0x64  }
.Ltmp6:
0x101: {  	_ = 	snop;
	(pc) =	sbr.rel @!p1 .LBB2_1-.Ltmp6, $4  }
.Ltmp7:
0x102: {  	_ = 	snop;
	(pc) =	sbr.rel @p1 .LBB2_10-.Ltmp7, $4  }
0x103: {  	_ = 	snop  }
0x104: {  	_ = 	snop  }
0x105: {  	s15 =	sadd.s32 s17, s15  }
0x106: {  	_ = 	snop  }
.LBB2_9:
0x107: {  	v0 =	vmov s15;
	vm0 =	vcmask $0x300  }
0x108: {  	v0 =	vnsel vm0, $0x0, v0  }
0x109: {  	s5 =	simm.s32 $0x0;
	s6 =	simm.s32 $0x2480;
	s24 =	simm.s32 $0x1;
	[tilespmem:$0x2780] =	vst v0  }
0x10a: {  	[hbm4b:s4+s5] =	stream.linear.scatter [tilespmem:s6], [sflag:$0x1], $0x80, $0x38;
	[tilespmem:$0x2810] =	vst v63  }
0x10b: {  	_ =	swait.ge [sflag:s24], $0x80  }
0x10c: {  	[sflag:s24] =	ssyncset.done $0x0  }
0x10d: {  	s25 =	simm.s32 $0x2500;
	[sflag:s24] =	ssyncadd.s32 $0xFFFFFF80  }
0x10e: {  	[hbm4b:s9+s5] =	stream.linear.scatter [tilespmem:s25], [sflag:$0x1], $0x80, $0x38;
	[tilespmem:$0x2810] =	vst v63  }
0x10f: {  	_ =	swait.ge [sflag:s24], $0x80  }
0x110: {  	[sflag:s24] =	ssyncset.done $0x0  }
0x111: {  	s26 =	simm.s32 $0x2580;
	[sflag:s24] =	ssyncadd.s32 $0xFFFFFF80  }
0x112: {  	[hbm4b:s8+s5] =	stream.linear.scatter [tilespmem:s26], [sflag:$0x1], $0x80, $0x38;
	[tilespmem:$0x2810] =	vst v63  }
0x113: {  	_ =	swait.ge [sflag:s24], $0x80  }
0x114: {  	[sflag:s24] =	ssyncset.done $0x0  }
0x115: {  	s28 =	simm.s32 $0x2600;
	[sflag:s24] =	ssyncadd.s32 $0xFFFFFF80  }
0x116: {  	[hbm4b:s10+s5] =	stream.linear.scatter [tilespmem:s28], [sflag:$0x1], $0x80, $0x38;
	[tilespmem:$0x2810] =	vst v63  }
0x117: {  	_ =	swait.ge [sflag:s24], $0x80  }
0x118: {  	[sflag:s24] =	ssyncset.done $0x0  }
0x119: {  	s29 =	simm.s32 $0x2680;
	[sflag:s24] =	ssyncadd.s32 $0xFFFFFF80  }
0x11a: {  	[hbm4b:s3+s5] =	stream.linear.scatter [tilespmem:s29], [sflag:$0x1], $0x80, $0x38;
	[tilespmem:$0x2810] =	vst v63  }
0x11b: {  	_ =	swait.ge [sflag:s24], $0x80  }
0x11c: {  	[sflag:s24] =	ssyncset.done $0x0  }
0x11d: {  	s30 =	simm.s32 $0x2700;
	[sflag:s24] =	ssyncadd.s32 $0xFFFFFF80  }
0x11e: {  	[hbm4b:s2+s5] =	stream.linear.scatter [tilespmem:s30], [sflag:$0x1], $0x80, $0x38;
	[tilespmem:$0x2810] =	vst v63  }
0x11f: {  	_ =	swait.ge [sflag:s24], $0x80  }
0x120: {  	[sflag:s24] =	ssyncset.done $0x0  }
0x121: {  	s31 =	simm.s32 $0x2780;
	[sflag:s24] =	ssyncadd.s32 $0xFFFFFF80  }
0x122: {  	[hbm4b:s1+s5] =	stream.linear.scatter [tilespmem:s31], [sflag:$0x1], $0x80, $0x38;
	[tilespmem:$0x2810] =	vst v63  }
0x123: {  	_ =	swait.ge [sflag:s24], $0x80  }
0x124: {  	[sflag:s24] =	ssyncset.done $0x0  }
0x125: {  	[sflag:s24] =	ssyncadd.s32 $0xFFFFFF80  }
.LBB2_10:
0x126: {  	_ =	sfence.sel $0x180000  }
0x127: {  	[bflag:$0x0] =	sbarrier.arrive $0xFFFF  }
0x128: {  	_ =	strace $0x90000047  }
0x129: {  	s0 =	sadd.s32 @!p0 $0x100000, s0;
	[bflag:$0x2] =	sbarrier.arrive $0xFFFF  }
0x12a: {  	[sflag:s0] =	ssyncadd.tile.s32 @!p0 $0x1;
	_ =	shalt  }
.Lfunc_end2:
_tile_overlayer_lowered:
.L_overlay_start_2:
0x12b: {  	(tag) =	ssettag $0x2  }
0x12c: {  	s0 =	rddreg [dreg:$0x0];
	s2 =	stileid.u32  }
0x12d: {  	s1 =	rddreg [dreg:$0x1];
	p0 =	sne.s32 s2, $0x0  }
0x12e: {  	s3 =	rddreg [dreg:$0x2];
	[bflag:$0x3] =	sbarrier.arrive $0xFFFF;
	s2 =	simm.s32 @!p0 $0x1C01  }
0x12f: {  	[timem:s3], [sflag:s2] =	dma.local @!p0 [hbm:s0], s1  }
0x130: {  	s0 =	simm.s32 @!p0 $0x1  }
0x131: {  	_ =	swait.ge @!p0 [sflag:s0], s1  }
0x132: {  	s1 =	ssub.s32 @!p0 $0x0, s1;
	[sflag:s0] =	ssyncset.done @!p0 $0x0  }
0x133: {  	[sflag:s0] =	ssyncadd.s32 @!p0 s1  }
0x134: {  	[bflag:$0x3] =	sbarrier.arrive $0xFFFF  }
0x135: {  	_ =	shalt  }

</sc_bundles>
